<compile_context>
chip_gen: v7x
topology: tpu7x:2x2x1
jax: 0.10.2.dev20260603
libtpu: 0.0.44.dev20260713+nightly
codegen_flags: <defaults>
</compile_context>

<pallas_src>
import functools

import jax
import jax.numpy as jnp
from jax import lax
from jax.experimental import pallas as pl
from jax.experimental.pallas import tpu as pltpu
from jax.experimental.pallas import tpu_sc as plsc

_N_CIR = 585
_N_DIS = 88
_D = 128
_E_CC = 11700
_E_DD = 1760

_N_CIR_P = 640
_N_DIS_P = 128
_E_CC_P = 12288
_E_DD_P = 2048

_NC = 2
_NS = 16
_NW = _NC * _NS
_CC_ROWS = _N_CIR_P // _NW
_DD_ROWS = _N_DIS_P // _NW


_CC_PER_TILE = _E_CC_P // _NS
_DD_PER_TILE = _E_DD_P // _NS
_CC_STRIPE = _N_CIR_P * _N_CIR_P // _NS
_DD_STRIPE = _N_DIS_P * _N_DIS_P // _NS


def _sc_count_matrices(icc, idd, zeros, ones):
    mesh = plsc.VectorSubcoreMesh(core_axis_name="c", subcore_axis_name="s")

    @functools.partial(
        pl.kernel,
        out_type=(
            jax.ShapeDtypeStruct((_N_CIR_P, _N_CIR_P), jnp.float32),
            jax.ShapeDtypeStruct((_N_DIS_P, _N_DIS_P), jnp.float32),
        ),
        mesh=mesh,
        compiler_params=pltpu.CompilerParams(needs_layout_passes=False),
        scratch_types=[
            pltpu.VMEM((_CC_PER_TILE // 128, 128), jnp.int32),
            pltpu.VMEM((128,), jnp.float32),
            pltpu.VMEM_SHARED((_N_CIR_P * _N_CIR_P,), jnp.float32),
            pltpu.SemaphoreType.DMA,
        ],
    )
    def k(icc_hbm, idd_hbm, zeros_hbm, ones_hbm, outc_hbm, outd_hbm,
          idx_v, ones_v, shr, sem):
        core = lax.axis_index("c")
        s = lax.axis_index("s")
        pltpu.sync_copy(ones_hbm, ones_v)

        def graph(i_hbm, out_hbm, n_chunk, stripe, npad):
            rows = stripe // npad
            base = s * rows
            cp_i = pltpu.make_async_copy(
                i_hbm.at[s], idx_v.at[pl.ds(0, n_chunk)], sem)
            cp_z = pltpu.make_async_copy(
                zeros_hbm.at[pl.ds(0, stripe)],
                shr.at[pl.ds(s * stripe, stripe)], sem)
            cp_i.start()
            cp_z.start()
            cp_i.wait()
            cp_z.wait()
            plsc.subcore_barrier()
            adds = [
                pltpu.make_async_copy(ones_v, shr.at[idx_v.at[j]], sem)
                for j in range(n_chunk)
            ]
            for cp in adds:
                cp.start(add=True)
            for cp in adds:
                cp.wait()
            plsc.subcore_barrier()
            copies = [
                pltpu.async_copy(
                    shr.at[pl.ds((base + j) * npad, npad)],
                    out_hbm.at[base + j], sem)
                for j in range(rows)
            ]
            for cp in copies:
                cp.wait()

        @pl.when(core == 0)
        def _():
            graph(icc_hbm, outc_hbm, _CC_PER_TILE // 128, _CC_STRIPE, _N_CIR_P)

        @pl.when(core == 1)
        def _():
            graph(idd_hbm, outd_hbm, _DD_PER_TILE // 128, _DD_STRIPE, _N_DIS_P)

    return k(icc, idd, zeros, ones)


def _tc_dense_body(cntc_ref, mc_ref, xc_ref, wc1_ref, bc1_ref, wc2_ref,
                   bc2_ref, wcnnc_ref, bcc_ref,
                   cntd_ref, md_ref, xd_ref, wd1_ref, bd1_ref, wd2_ref,
                   bd2_ref, wcnnd_ref, bdc_ref,
                   score_ref, cir_ref, dis_ref,
                   cntc_v, mc_v, sem1, sem2):
    f32 = jnp.float32
    cp1 = pltpu.make_async_copy(cntc_ref, cntc_v, sem1)
    cp2 = pltpu.make_async_copy(mc_ref, mc_v, sem2)
    cp1.start()
    cp2.start()

    def dg(a, b, dims, prec=lax.Precision.DEFAULT):
        return lax.dot_general(a, b, (dims, ((), ())),
                               preferred_element_type=f32, precision=prec)

    def side(B, x, w1, b1, w2, b2, wcnn, bc, n, h1=None):
        ones = jnp.ones((n, 1), f32)
        deg = 1.0 + dg(B, ones, ((0,), (0,)), lax.Precision.HIGHEST)
        dinv = lax.rsqrt(deg)

        def gcn(xin, W, b, h=None):
            if h is None:
                h = dg(xin, W, ((1,), (0,)))
            t = dinv * h
            u = dg(B, t, ((0,), (0,)), lax.Precision.HIGHEST)
            return jnp.maximum(dinv * u + (dinv * dinv) * h + b, 0.0)

        f1 = gcn(x, w1, b1, h1)
        f2 = gcn(f1, w2, b2)
        return (dg(f1, wcnn[:, 0, :], ((1,), (1,)))
                + dg(f2, wcnn[:, 1, :], ((1,), (1,))) + bc)

    dis = side(cntd_ref[...] * md_ref[...], xd_ref[...], wd1_ref[...],
               bd1_ref[...], wd2_ref[...], bd2_ref[...], wcnnd_ref[...],
               bdc_ref[...], _N_DIS_P)
    h1c = dg(xc_ref[...], wc1_ref[...], ((1,), (0,)))
    cp1.wait()
    cp2.wait()
    cir = side(cntc_v[...] * mc_v[...], xc_ref[...], wc1_ref[...],
               bc1_ref[...], wc2_ref[...], bc2_ref[...], wcnnc_ref[...],
               bcc_ref[...], _N_CIR_P, h1=h1c)
    score_ref[...] = dg(cir, dis, ((1,), (1,)))[:_N_CIR, :_N_DIS]
    cir_ref[...] = cir[:_N_CIR]
    dis_ref[...] = dis[:_N_DIS]


def kernel(x_cir, x_dis, cc_matrix, cc_edges, dd_matrix, dd_edges,
           W_cir1, b_cir1, W_cir2, b_cir2, W_dis1, b_dis1, W_dis2, b_dis2,
           W_cnn_cir, b_cnn_cir, W_cnn_dis, b_cnn_dis):
    f32 = jnp.float32

    icc = jnp.concatenate([
        cc_edges[0] * _N_CIR_P + cc_edges[1],
        jnp.full((_E_CC_P - _E_CC,), _N_CIR_P - 1, jnp.int32),
    ]).reshape(_NS, _CC_PER_TILE // 128, 128)
    idd = jnp.concatenate([
        dd_edges[0] * _N_DIS_P + dd_edges[1],
        jnp.full((_E_DD_P - _E_DD,), _N_DIS_P - 1, jnp.int32),
    ]).reshape(_NS, _DD_PER_TILE // 128, 128)
    zeros = jnp.zeros((_CC_STRIPE,), f32)
    ones = jnp.ones((128,), f32)

    cntc, cntd = _sc_count_matrices(icc, idd, zeros, ones)

    pc = _N_CIR_P - _N_CIR
    pd = _N_DIS_P - _N_DIS
    mc = jnp.pad(cc_matrix, ((0, pc), (0, pc)))
    md = jnp.pad(dd_matrix, ((0, pd), (0, pd)))
    xc = jnp.pad(x_cir, ((0, pc), (0, 0)))
    xd = jnp.pad(x_dis, ((0, pd), (0, 0)))

    any_spec = pl.BlockSpec(memory_space=pl.ANY)
    vmem_spec = pl.BlockSpec(memory_space=pltpu.MemorySpace.VMEM)
    score, cir, dis = pl.pallas_call(
        _tc_dense_body,
        in_specs=[any_spec, any_spec] + [vmem_spec] * 16,
        scratch_shapes=[
            pltpu.VMEM((_N_CIR_P, _N_CIR_P), f32),
            pltpu.VMEM((_N_CIR_P, _N_CIR_P), f32),
            pltpu.SemaphoreType.DMA,
            pltpu.SemaphoreType.DMA,
        ],
        out_shape=(
            jax.ShapeDtypeStruct((_N_CIR, _N_DIS), f32),
            jax.ShapeDtypeStruct((_N_CIR, 256), f32),
            jax.ShapeDtypeStruct((_N_DIS, 256), f32),
        ),
    )(cntc, mc, xc, W_cir1, b_cir1.reshape(1, _D), W_cir2,
      b_cir2.reshape(1, _D), W_cnn_cir, b_cnn_cir.reshape(1, 256),
      cntd, md, xd, W_dis1, b_dis1.reshape(1, _D), W_dis2,
      b_dis2.reshape(1, _D), W_cnn_dis, b_cnn_dis.reshape(1, 256))

    return (score, cir, dis)

# --- scband reference (transcript-rebuilt; emitter-appended) ---
"""Pipeline reference for scband-graph-cdano-gat-40553081209092 (READ-ONLY COPY).

The authoritative reference and input builder live on the scoring server;
editing this copy changes nothing except your own understanding.
"""

import jax, jax.numpy as jnp
import numpy as np

N_CIR = 585
N_DIS = 88
D = 128
E_CC = 11700
E_DD = 1760


def _gcn_conv(x, edge_index, edge_weight, W, b, num_nodes):
    # PyG GCNConv with edge_weight: add self-loops (weight 1), symmetric norm, then aggregate.
    row = edge_index[0]
    col = edge_index[1]
    loop = jnp.arange(num_nodes, dtype=row.dtype)
    row = jnp.concatenate([row, loop])
    col = jnp.concatenate([col, loop])
    ew = jnp.concatenate([edge_weight, jnp.ones((num_nodes,), dtype=edge_weight.dtype)])
    deg = jax.ops.segment_sum(ew, col, num_segments=num_nodes)
    dinv = jnp.where(deg > 0, deg ** -0.5, 0.0)
    norm = dinv[row] * ew * dinv[col]
    h = x @ W
    msg = h[row] * norm[:, None]
    out = jax.ops.segment_sum(msg, col, num_segments=num_nodes)
    return out + b


def setup_inputs(seed: int = 0) -> dict:
    key = jax.random.key(seed)
    ks = jax.random.split(key, 18)
    inp = {}
    inp["x_cir"] = jax.random.normal(ks[0], (N_CIR, D), dtype=jnp.float32)
    inp["x_dis"] = jax.random.normal(ks[1], (N_DIS, D), dtype=jnp.float32)
    inp["cc_matrix"] = jax.random.uniform(ks[2], (N_CIR, N_CIR), dtype=jnp.float32)
    inp["cc_edges"] = jax.random.randint(ks[3], (2, E_CC), 0, N_CIR, dtype=jnp.int32)
    inp["dd_matrix"] = jax.random.uniform(ks[4], (N_DIS, N_DIS), dtype=jnp.float32)
    inp["dd_edges"] = jax.random.randint(ks[5], (2, E_DD), 0, N_DIS, dtype=jnp.int32)
    # GCN linear weights (in=128, out=128) and biases
    inp["W_cir1"] = jax.random.normal(ks[6], (D, D), dtype=jnp.float32) * 0.05
    inp["b_cir1"] = jnp.zeros((D,), dtype=jnp.float32)
    inp["W_cir2"] = jax.random.normal(ks[7], (D, D), dtype=jnp.float32) * 0.05
    inp["b_cir2"] = jnp.zeros((D,), dtype=jnp.float32)
    inp["W_dis1"] = jax.random.normal(ks[8], (D, D), dtype=jnp.float32) * 0.05
    inp["b_dis1"] = jnp.zeros((D,), dtype=jnp.float32)
    inp["W_dis2"] = jax.random.normal(ks[9], (D, D), dtype=jnp.float32) * 0.05
    inp["b_dis2"] = jnp.zeros((D,), dtype=jnp.float32)
    # Conv2d(2, 256, kernel=(128,1)) weights stored as [256, 2, 128] (kw=1 squeezed)
    inp["W_cnn_cir"] = jax.random.normal(ks[10], (256, 2, D), dtype=jnp.float32) * 0.02
    inp["b_cnn_cir"] = jnp.zeros((256,), dtype=jnp.float32)
    inp["W_cnn_dis"] = jax.random.normal(ks[11], (256, 2, D), dtype=jnp.float32) * 0.02
    inp["b_cnn_dis"] = jnp.zeros((256,), dtype=jnp.float32)
    return inp


def reference(x_cir, x_dis, cc_matrix, cc_edges, dd_matrix, dd_edges,
              W_cir1, b_cir1, W_cir2, b_cir2, W_dis1, b_dis1, W_dis2, b_dis2,
              W_cnn_cir, b_cnn_cir, W_cnn_dis, b_cnn_dis):
    # edge weights gathered from dense similarity matrices
    cc_w = cc_matrix[cc_edges[0], cc_edges[1]]
    dd_w = dd_matrix[dd_edges[0], dd_edges[1]]

    x_cir_f1 = jax.nn.relu(_gcn_conv(x_cir, cc_edges, cc_w, W_cir1, b_cir1, N_CIR))
    x_cir_f2 = jax.nn.relu(_gcn_conv(x_cir_f1, cc_edges, cc_w, W_cir2, b_cir2, N_CIR))
    x_dis_f1 = jax.nn.relu(_gcn_conv(x_dis, dd_edges, dd_w, W_dis1, b_dis1, N_DIS))
    x_dis_f2 = jax.nn.relu(_gcn_conv(x_dis_f1, dd_edges, dd_w, W_dis2, b_dis2, N_DIS))

    # cat((f1,f2),1).t().view(1,2,128,N): channel 0 = f1.T, channel 1 = f2.T
    X_cir = jnp.stack([x_cir_f1.T, x_cir_f2.T], axis=0)  # [2, 128, N_CIR]
    X_dis = jnp.stack([x_dis_f1.T, x_dis_f2.T], axis=0)  # [2, 128, N_DIS]

    # Conv2d(2,256,(128,1)) == full contraction over (in_ch, height) per node column
    cir_fea = (jnp.einsum('oih,ihn->on', W_cnn_cir, X_cir) + b_cnn_cir[:, None]).T  # [N_CIR, 256]
    dis_fea = (jnp.einsum('oih,ihn->on', W_cnn_dis, X_dis) + b_cnn_dis[:, None]).T  # [N_DIS, 256]

    return (cir_fea @ dis_fea.T, cir_fea, dis_fea)

if __name__ == "__main__":
    import jax
    _d = setup_inputs()
    print(jax.jit(kernel)(*tuple(_d.values())))

</pallas_src>

<mosaic_0001>
#map = affine_map<(d0, d1) -> (0, 0, 0)>
#map1 = affine_map<(d0, d1) -> (0)>
#map2 = affine_map<(d0, d1) -> (0, 0)>
module attributes {stable_mosaic.version = 14 : i64} {
  func.func @k(%arg0: i32, %arg1: i32, %arg2: memref<16x6x128xi32, #tpu.memory_space<hbm>>, %arg3: memref<16x1x128xi32, #tpu.memory_space<hbm>>, %arg4: memref<25600xf32, #tpu.memory_space<hbm>>, %arg5: memref<128xf32, #tpu.memory_space<hbm>>, %arg6: memref<640x640xf32, #tpu.memory_space<hbm>>, %arg7: memref<128x128xf32, #tpu.memory_space<hbm>>, %arg8: memref<6x128xi32, #tpu.memory_space<vmem>>, %arg9: memref<128xf32, #tpu.memory_space<vmem>>, %arg10: memref<409600xf32, #tpu.memory_space<vmem_shared>>, %arg11: memref<!tpu.dma_semaphore, #tpu.memory_space<semaphore_mem>>) attributes {dimension_semantics = [#tpu.dimension_semantics<core_parallel>, #tpu.dimension_semantics<subcore_parallel>], iteration_bounds = array<i64: 2, 16>, scalar_prefetch = 0 : i64, scratch_operands = 4 : i64, tpu.core_type = #tpu.core_type<sc_vector_subcore>, window_params = [{transform_indices = #map}, {transform_indices = #map}, {transform_indices = #map1}, {transform_indices = #map1}, {transform_indices = #map2}, {transform_indices = #map2}]} {
    "tpu.region"() ({
      %run_scoped3A = tpu.sem_alloc : memref<!tpu.dma_semaphore, #tpu.memory_space<semaphore_mem>>
      tpu.enqueue_dma source(%arg5 : memref<128xf32, #tpu.memory_space<hbm>>) target(%arg9 : memref<128xf32, #tpu.memory_space<vmem>>) target_semaphore(%run_scoped3A : memref<!tpu.dma_semaphore, #tpu.memory_space<semaphore_mem>>)
      tpu.wait_dma2 semaphore(%run_scoped3A : memref<!tpu.dma_semaphore, #tpu.memory_space<semaphore_mem>>) src(%arg5 : memref<128xf32, #tpu.memory_space<hbm>>) dst(%arg9 : memref<128xf32, #tpu.memory_space<vmem>>)
      tpu.yield
    }) : () -> ()
    %eq3A = arith.constant 0 : i32
    %eq3A_0 = arith.cmpi eq, %arg0, %eq3A : i32
    %convert_element_type3A = arith.extui %eq3A_0 : i1 to i32
    %cond3A = arith.constant 0 : i32
    %cond3A_1 = arith.cmpi ne, %convert_element_type3A, %cond3A : i32
    scf.if %cond3A_1 {
      %mul3A = arith.constant 40 : i32
      %mul3A_7 = arith.muli %arg1, %mul3A : i32
      %mul3A_8 = arith.constant 25600 : i32
      %mul3A_9 = arith.muli %arg1, %mul3A_8 : i32
      %dma_start3A = arith.constant 0 : i32
      %dma_start3A_10 = arith.constant 0 : i32
      %dma_start3A_11 = tpu.memref_slice %arg8[%dma_start3A, %dma_start3A_10] : memref<6x128xi32, #tpu.memory_space<vmem>> -> memref<6x128xi32, #tpu.memory_space<vmem>>
      %dma_start3A_12 = arith.constant 0 : i32
      %dma_start3A_13 = arith.constant 0 : i32
      %dma_start3A_14 = tpu.memref_slice %arg2[%arg1, %dma_start3A_12, %dma_start3A_13] : memref<16x6x128xi32, #tpu.memory_space<hbm>> -> memref<1x6x128xi32, #tpu.memory_space<hbm>>
      %dma_start3A_15 = tpu.memref_squeeze %dma_start3A_14 : memref<1x6x128xi32, #tpu.memory_space<hbm>> -> memref<6x128xi32, #tpu.memory_space<hbm>>
      %dma_start3A_16 = arith.constant 0 : i32
      %dma_start3A_17 = arith.constant 0 : i32
      %dma_start3A_18 = tpu.memref_slice %arg8[%dma_start3A_16, %dma_start3A_17] : memref<6x128xi32, #tpu.memory_space<vmem>> -> memref<6x128xi32, #tpu.memory_space<vmem>>
      %dma_start3A_19 = arith.constant 0 : i32
      %dma_start3A_20 = arith.constant 0 : i32
      %dma_start3A_21 = tpu.memref_slice %arg2[%arg1, %dma_start3A_19, %dma_start3A_20] : memref<16x6x128xi32, #tpu.memory_space<hbm>> -> memref<1x6x128xi32, #tpu.memory_space<hbm>>
      %dma_start3A_22 = tpu.memref_squeeze %dma_start3A_21 : memref<1x6x128xi32, #tpu.memory_space<hbm>> -> memref<6x128xi32, #tpu.memory_space<hbm>>
      tpu.enqueue_dma source(%dma_start3A_22 : memref<6x128xi32, #tpu.memory_space<hbm>>) target(%dma_start3A_18 : memref<6x128xi32, #tpu.memory_space<vmem>>) target_semaphore(%arg11 : memref<!tpu.dma_semaphore, #tpu.memory_space<semaphore_mem>>)
      %dma_start3A_23 = tpu.memref_slice %arg10[%mul3A_9] : memref<409600xf32, #tpu.memory_space<vmem_shared>> -> memref<25600xf32, #tpu.memory_space<vmem_shared>>
      %dma_start3A_24 = arith.constant 0 : i32
      %dma_start3A_25 = tpu.memref_slice %arg4[%dma_start3A_24] : memref<25600xf32, #tpu.memory_space<hbm>> -> memref<25600xf32, #tpu.memory_space<hbm>>
      tpu.enqueue_dma source(%dma_start3A_25 : memref<25600xf32, #tpu.memory_space<hbm>>) target(%dma_start3A_23 : memref<25600xf32, #tpu.memory_space<vmem_shared>>) target_semaphore(%arg11 : memref<!tpu.dma_semaphore, #tpu.memory_space<semaphore_mem>>)
      %dma_wait3A = arith.constant 0 : i32
      %dma_wait3A_26 = arith.constant 0 : i32
      %dma_wait3A_27 = tpu.memref_slice %arg8[%dma_wait3A, %dma_wait3A_26] : memref<6x128xi32, #tpu.memory_space<vmem>> -> memref<6x128xi32, #tpu.memory_space<vmem>>
      %dma_wait3A_28 = arith.constant 0 : i32
      %dma_wait3A_29 = arith.constant 0 : i32
      %dma_wait3A_30 = tpu.memref_slice %arg2[%arg1, %dma_wait3A_28, %dma_wait3A_29] : memref<16x6x128xi32, #tpu.memory_space<hbm>> -> memref<1x6x128xi32, #tpu.memory_space<hbm>>
      %dma_wait3A_31 = tpu.memref_squeeze %dma_wait3A_30 : memref<1x6x128xi32, #tpu.memory_space<hbm>> -> memref<6x128xi32, #tpu.memory_space<hbm>>
      %dma_wait3A_32 = arith.constant 0 : i32
      %dma_wait3A_33 = arith.constant 0 : i32
      %dma_wait3A_34 = tpu.memref_slice %arg8[%dma_wait3A_32, %dma_wait3A_33] : memref<6x128xi32, #tpu.memory_space<vmem>> -> memref<6x128xi32, #tpu.memory_space<vmem>>
      %dma_wait3A_35 = arith.constant 0 : i32
      %dma_wait3A_36 = arith.constant 0 : i32
      %dma_wait3A_37 = tpu.memref_slice %arg2[%arg1, %dma_wait3A_35, %dma_wait3A_36] : memref<16x6x128xi32, #tpu.memory_space<hbm>> -> memref<1x6x128xi32, #tpu.memory_space<hbm>>
      %dma_wait3A_38 = tpu.memref_squeeze %dma_wait3A_37 : memref<1x6x128xi32, #tpu.memory_space<hbm>> -> memref<6x128xi32, #tpu.memory_space<hbm>>
      tpu.wait_dma2 semaphore(%arg11 : memref<!tpu.dma_semaphore, #tpu.memory_space<semaphore_mem>>) src(%dma_wait3A_38 : memref<6x128xi32, #tpu.memory_space<hbm>>) dst(%dma_wait3A_34 : memref<6x128xi32, #tpu.memory_space<vmem>>)
      %dma_wait3A_39 = tpu.memref_slice %arg10[%mul3A_9] : memref<409600xf32, #tpu.memory_space<vmem_shared>> -> memref<25600xf32, #tpu.memory_space<vmem_shared>>
      %dma_wait3A_40 = arith.constant 0 : i32
      %dma_wait3A_41 = tpu.memref_slice %arg4[%dma_wait3A_40] : memref<25600xf32, #tpu.memory_space<hbm>> -> memref<25600xf32, #tpu.memory_space<hbm>>
      tpu.wait_dma2 semaphore(%arg11 : memref<!tpu.dma_semaphore, #tpu.memory_space<semaphore_mem>>) src(%dma_wait3A_41 : memref<25600xf32, #tpu.memory_space<hbm>>) dst(%dma_wait3A_39 : memref<25600xf32, #tpu.memory_space<vmem_shared>>)
      %barrier3A = arith.constant 0 : index
      tpu.barrier barrier_id(%barrier3A)
      %dma_start3A_42 = arith.constant 0 : i32
      %dma_start3A_43 = arith.constant 0 : i32
      %dma_start3A_44 = tpu.memref_slice %arg8[%dma_start3A_42, %dma_start3A_43] : memref<6x128xi32, #tpu.memory_space<vmem>> -> memref<1x128xi32, #tpu.memory_space<vmem>>
      %dma_start3A_45 = tpu.memref_squeeze %dma_start3A_44 : memref<1x128xi32, #tpu.memory_space<vmem>> -> memref<128xi32, #tpu.memory_space<vmem>>
      %dma_start3A_46 = arith.constant 0 : i32
      %dma_start3A_47 = tpu.memref_slice %arg10[%dma_start3A_46] : memref<409600xf32, #tpu.memory_space<vmem_shared>> -> memref<409600xf32, #tpu.memory_space<vmem_shared>>
      tpu.enqueue_indirect_dma source(%arg9 : memref<128xf32, #tpu.memory_space<vmem>>) target(%dma_start3A_47 : memref<409600xf32, #tpu.memory_space<vmem_shared>>) offsets(%dma_start3A_45 : memref<128xi32, #tpu.memory_space<vmem>>) semaphore(%arg11 : memref<!tpu.dma_semaphore, #tpu.memory_space<semaphore_mem>>) {add = true}
      %dma_start3A_48 = arith.constant 1 : i32
      %dma_start3A_49 = arith.constant 0 : i32
      %dma_start3A_50 = tpu.memref_slice %arg8[%dma_start3A_48, %dma_start3A_49] : memref<6x128xi32, #tpu.memory_space<vmem>> -> memref<1x128xi32, #tpu.memory_space<vmem>>
      %dma_start3A_51 = tpu.memref_squeeze %dma_start3A_50 : memref<1x128xi32, #tpu.memory_space<vmem>> -> memref<128xi32, #tpu.memory_space<vmem>>
      %dma_start3A_52 = arith.constant 0 : i32
      %dma_start3A_53 = tpu.memref_slice %arg10[%dma_start3A_52] : memref<409600xf32, #tpu.memory_space<vmem_shared>> -> memref<409600xf32, #tpu.memory_space<vmem_shared>>
      tpu.enqueue_indirect_dma source(%arg9 : memref<128xf32, #tpu.memory_space<vmem>>) target(%dma_start3A_53 : memref<409600xf32, #tpu.memory_space<vmem_shared>>) offsets(%dma_start3A_51 : memref<128xi32, #tpu.memory_space<vmem>>) semaphore(%arg11 : memref<!tpu.dma_semaphore, #tpu.memory_space<semaphore_mem>>) {add = true}
      %dma_start3A_54 = arith.constant 2 : i32
      %dma_start3A_55 = arith.constant 0 : i32
      %dma_start3A_56 = tpu.memref_slice %arg8[%dma_start3A_54, %dma_start3A_55] : memref<6x128xi32, #tpu.memory_space<vmem>> -> memref<1x128xi32, #tpu.memory_space<vmem>>
      %dma_start3A_57 = tpu.memref_squeeze %dma_start3A_56 : memref<1x128xi32, #tpu.memory_space<vmem>> -> memref<128xi32, #tpu.memory_space<vmem>>
      %dma_start3A_58 = arith.constant 0 : i32
      %dma_start3A_59 = tpu.memref_slice %arg10[%dma_start3A_58] : memref<409600xf32, #tpu.memory_space<vmem_shared>> -> memref<409600xf32, #tpu.memory_space<vmem_shared>>
      tpu.enqueue_indirect_dma source(%arg9 : memref<128xf32, #tpu.memory_space<vmem>>) target(%dma_start3A_59 : memref<409600xf32, #tpu.memory_space<vmem_shared>>) offsets(%dma_start3A_57 : memref<128xi32, #tpu.memory_space<vmem>>) semaphore(%arg11 : memref<!tpu.dma_semaphore, #tpu.memory_space<semaphore_mem>>) {add = true}
      %dma_start3A_60 = arith.constant 3 : i32
      %dma_start3A_61 = arith.constant 0 : i32
      %dma_start3A_62 = tpu.memref_slice %arg8[%dma_start3A_60, %dma_start3A_61] : memref<6x128xi32, #tpu.memory_space<vmem>> -> memref<1x128xi32, #tpu.memory_space<vmem>>
      %dma_start3A_63 = tpu.memref_squeeze %dma_start3A_62 : memref<1x128xi32, #tpu.memory_space<vmem>> -> memref<128xi32, #tpu.memory_space<vmem>>
      %dma_start3A_64 = arith.constant 0 : i32
      %dma_start3A_65 = tpu.memref_slice %arg10[%dma_start3A_64] : memref<409600xf32, #tpu.memory_space<vmem_shared>> -> memref<409600xf32, #tpu.memory_space<vmem_shared>>
      tpu.enqueue_indirect_dma source(%arg9 : memref<128xf32, #tpu.memory_space<vmem>>) target(%dma_start3A_65 : memref<409600xf32, #tpu.memory_space<vmem_shared>>) offsets(%dma_start3A_63 : memref<128xi32, #tpu.memory_space<vmem>>) semaphore(%arg11 : memref<!tpu.dma_semaphore, #tpu.memory_space<semaphore_mem>>) {add = true}
      %dma_start3A_66 = arith.constant 4 : i32
      %dma_start3A_67 = arith.constant 0 : i32
      %dma_start3A_68 = tpu.memref_slice %arg8[%dma_start3A_66, %dma_start3A_67] : memref<6x128xi32, #tpu.memory_space<vmem>> -> memref<1x128xi32, #tpu.memory_space<vmem>>
      %dma_start3A_69 = tpu.memref_squeeze %dma_start3A_68 : memref<1x128xi32, #tpu.memory_space<vmem>> -> memref<128xi32, #tpu.memory_space<vmem>>
      %dma_start3A_70 = arith.constant 0 : i32
      %dma_start3A_71 = tpu.memref_slice %arg10[%dma_start3A_70] : memref<409600xf32, #tpu.memory_space<vmem_shared>> -> memref<409600xf32, #tpu.memory_space<vmem_shared>>
      tpu.enqueue_indirect_dma source(%arg9 : memref<128xf32, #tpu.memory_space<vmem>>) target(%dma_start3A_71 : memref<409600xf32, #tpu.memory_space<vmem_shared>>) offsets(%dma_start3A_69 : memref<128xi32, #tpu.memory_space<vmem>>) semaphore(%arg11 : memref<!tpu.dma_semaphore, #tpu.memory_space<semaphore_mem>>) {add = true}
      %dma_start3A_72 = arith.constant 5 : i32
      %dma_start3A_73 = arith.constant 0 : i32
      %dma_start3A_74 = tpu.memref_slice %arg8[%dma_start3A_72, %dma_start3A_73] : memref<6x128xi32, #tpu.memory_space<vmem>> -> memref<1x128xi32, #tpu.memory_space<vmem>>
      %dma_start3A_75 = tpu.memref_squeeze %dma_start3A_74 : memref<1x128xi32, #tpu.memory_space<vmem>> -> memref<128xi32, #tpu.memory_space<vmem>>
      %dma_start3A_76 = arith.constant 0 : i32
      %dma_start3A_77 = tpu.memref_slice %arg10[%dma_start3A_76] : memref<409600xf32, #tpu.memory_space<vmem_shared>> -> memref<409600xf32, #tpu.memory_space<vmem_shared>>
      tpu.enqueue_indirect_dma source(%arg9 : memref<128xf32, #tpu.memory_space<vmem>>) target(%dma_start3A_77 : memref<409600xf32, #tpu.memory_space<vmem_shared>>) offsets(%dma_start3A_75 : memref<128xi32, #tpu.memory_space<vmem>>) semaphore(%arg11 : memref<!tpu.dma_semaphore, #tpu.memory_space<semaphore_mem>>) {add = true}
      %dma_wait3A_78 = arith.constant 0 : i32
      %dma_wait3A_79 = arith.constant 0 : i32
      %dma_wait3A_80 = tpu.memref_slice %arg8[%dma_wait3A_78, %dma_wait3A_79] : memref<6x128xi32, #tpu.memory_space<vmem>> -> memref<1x128xi32, #tpu.memory_space<vmem>>
      %dma_wait3A_81 = tpu.memref_squeeze %dma_wait3A_80 : memref<1x128xi32, #tpu.memory_space<vmem>> -> memref<128xi32, #tpu.memory_space<vmem>>
      %dma_wait3A_82 = arith.constant 0 : i32
      %dma_wait3A_83 = tpu.memref_slice %arg10[%dma_wait3A_82] : memref<409600xf32, #tpu.memory_space<vmem_shared>> -> memref<409600xf32, #tpu.memory_space<vmem_shared>>
      tpu.wait_indirect_dma semaphore(%arg11 : memref<!tpu.dma_semaphore, #tpu.memory_space<semaphore_mem>>) src(%arg9 : memref<128xf32, #tpu.memory_space<vmem>>) dst(%dma_wait3A_83 : memref<409600xf32, #tpu.memory_space<vmem_shared>>)
      %dma_wait3A_84 = arith.constant 1 : i32
      %dma_wait3A_85 = arith.constant 0 : i32
      %dma_wait3A_86 = tpu.memref_slice %arg8[%dma_wait3A_84, %dma_wait3A_85] : memref<6x128xi32, #tpu.memory_space<vmem>> -> memref<1x128xi32, #tpu.memory_space<vmem>>
      %dma_wait3A_87 = tpu.memref_squeeze %dma_wait3A_86 : memref<1x128xi32, #tpu.memory_space<vmem>> -> memref<128xi32, #tpu.memory_space<vmem>>
      %dma_wait3A_88 = arith.constant 0 : i32
      %dma_wait3A_89 = tpu.memref_slice %arg10[%dma_wait3A_88] : memref<409600xf32, #tpu.memory_space<vmem_shared>> -> memref<409600xf32, #tpu.memory_space<vmem_shared>>
      tpu.wait_indirect_dma semaphore(%arg11 : memref<!tpu.dma_semaphore, #tpu.memory_space<semaphore_mem>>) src(%arg9 : memref<128xf32, #tpu.memory_space<vmem>>) dst(%dma_wait3A_89 : memref<409600xf32, #tpu.memory_space<vmem_shared>>)
      %dma_wait3A_90 = arith.constant 2 : i32
      %dma_wait3A_91 = arith.constant 0 : i32
      %dma_wait3A_92 = tpu.memref_slice %arg8[%dma_wait3A_90, %dma_wait3A_91] : memref<6x128xi32, #tpu.memory_space<vmem>> -> memref<1x128xi32, #tpu.memory_space<vmem>>
      %dma_wait3A_93 = tpu.memref_squeeze %dma_wait3A_92 : memref<1x128xi32, #tpu.memory_space<vmem>> -> memref<128xi32, #tpu.memory_space<vmem>>
      %dma_wait3A_94 = arith.constant 0 : i32
      %dma_wait3A_95 = tpu.memref_slice %arg10[%dma_wait3A_94] : memref<409600xf32, #tpu.memory_space<vmem_shared>> -> memref<409600xf32, #tpu.memory_space<vmem_shared>>
      tpu.wait_indirect_dma semaphore(%arg11 : memref<!tpu.dma_semaphore, #tpu.memory_space<semaphore_mem>>) src(%arg9 : memref<128xf32, #tpu.memory_space<vmem>>) dst(%dma_wait3A_95 : memref<409600xf32, #tpu.memory_space<vmem_shared>>)
      %dma_wait3A_96 = arith.constant 3 : i32
      %dma_wait3A_97 = arith.constant 0 : i32
      %dma_wait3A_98 = tpu.memref_slice %arg8[%dma_wait3A_96, %dma_wait3A_97] : memref<6x128xi32, #tpu.memory_space<vmem>> -> memref<1x128xi32, #tpu.memory_space<vmem>>
      %dma_wait3A_99 = tpu.memref_squeeze %dma_wait3A_98 : memref<1x128xi32, #tpu.memory_space<vmem>> -> memref<128xi32, #tpu.memory_space<vmem>>
      %dma_wait3A_100 = arith.constant 0 : i32
      %dma_wait3A_101 = tpu.memref_slice %arg10[%dma_wait3A_100] : memref<409600xf32, #tpu.memory_space<vmem_shared>> -> memref<409600xf32, #tpu.memory_space<vmem_shared>>
      tpu.wait_indirect_dma semaphore(%arg11 : memref<!tpu.dma_semaphore, #tpu.memory_space<semaphore_mem>>) src(%arg9 : memref<128xf32, #tpu.memory_space<vmem>>) dst(%dma_wait3A_101 : memref<409600xf32, #tpu.memory_space<vmem_shared>>)
      %dma_wait3A_102 = arith.constant 4 : i32
      %dma_wait3A_103 = arith.constant 0 : i32
      %dma_wait3A_104 = tpu.memref_slice %arg8[%dma_wait3A_102, %dma_wait3A_103] : memref<6x128xi32, #tpu.memory_space<vmem>> -> memref<1x128xi32, #tpu.memory_space<vmem>>
      %dma_wait3A_105 = tpu.memref_squeeze %dma_wait3A_104 : memref<1x128xi32, #tpu.memory_space<vmem>> -> memref<128xi32, #tpu.memory_space<vmem>>
      %dma_wait3A_106 = arith.constant 0 : i32
      %dma_wait3A_107 = tpu.memref_slice %arg10[%dma_wait3A_106] : memref<409600xf32, #tpu.memory_space<vmem_shared>> -> memref<409600xf32, #tpu.memory_space<vmem_shared>>
      tpu.wait_indirect_dma semaphore(%arg11 : memref<!tpu.dma_semaphore, #tpu.memory_space<semaphore_mem>>) src(%arg9 : memref<128xf32, #tpu.memory_space<vmem>>) dst(%dma_wait3A_107 : memref<409600xf32, #tpu.memory_space<vmem_shared>>)
      %dma_wait3A_108 = arith.constant 5 : i32
      %dma_wait3A_109 = arith.constant 0 : i32
      %dma_wait3A_110 = tpu.memref_slice %arg8[%dma_wait3A_108, %dma_wait3A_109] : memref<6x128xi32, #tpu.memory_space<vmem>> -> memref<1x128xi32, #tpu.memory_space<vmem>>
      %dma_wait3A_111 = tpu.memref_squeeze %dma_wait3A_110 : memref<1x128xi32, #tpu.memory_space<vmem>> -> memref<128xi32, #tpu.memory_space<vmem>>
      %dma_wait3A_112 = arith.constant 0 : i32
      %dma_wait3A_113 = tpu.memref_slice %arg10[%dma_wait3A_112] : memref<409600xf32, #tpu.memory_space<vmem_shared>> -> memref<409600xf32, #tpu.memory_space<vmem_shared>>
      tpu.wait_indirect_dma semaphore(%arg11 : memref<!tpu.dma_semaphore, #tpu.memory_space<semaphore_mem>>) src(%arg9 : memref<128xf32, #tpu.memory_space<vmem>>) dst(%dma_wait3A_113 : memref<409600xf32, #tpu.memory_space<vmem_shared>>)
      %barrier3A_114 = arith.constant 0 : index
      tpu.barrier barrier_id(%barrier3A_114)
      %add3A = arith.constant 0 : i32
      %add3A_115 = arith.addi %mul3A_7, %add3A : i32
      %mul3A_116 = arith.constant 640 : i32
      %mul3A_117 = arith.muli %add3A_115, %mul3A_116 : i32
      %add3A_118 = arith.constant 0 : i32
      %add3A_119 = arith.addi %mul3A_7, %add3A_118 : i32
      %dma_start3A_120 = arith.constant 0 : i32
      %dma_start3A_121 = tpu.memref_slice %arg6[%add3A_119, %dma_start3A_120] : memref<640x640xf32, #tpu.memory_space<hbm>> -> memref<1x640xf32, #tpu.memory_space<hbm>>
      %dma_start3A_122 = tpu.memref_squeeze %dma_start3A_121 : memref<1x640xf32, #tpu.memory_space<hbm>> -> memref<640xf32, #tpu.memory_space<hbm>>
      %dma_start3A_123 = tpu.memref_slice %arg10[%mul3A_117] : memref<409600xf32, #tpu.memory_space<vmem_shared>> -> memref<640xf32, #tpu.memory_space<vmem_shared>>
      tpu.enqueue_dma source(%dma_start3A_123 : memref<640xf32, #tpu.memory_space<vmem_shared>>) target(%dma_start3A_122 : memref<640xf32, #tpu.memory_space<hbm>>) target_semaphore(%arg11 : memref<!tpu.dma_semaphore, #tpu.memory_space<semaphore_mem>>)
      %add3A_124 = arith.constant 1 : i32
      %add3A_125 = arith.addi %mul3A_7, %add3A_124 : i32
      %mul3A_126 = arith.constant 640 : i32
      %mul3A_127 = arith.muli %add3A_125, %mul3A_126 : i32
      %add3A_128 = arith.constant 1 : i32
      %add3A_129 = arith.addi %mul3A_7, %add3A_128 : i32
      %dma_start3A_130 = arith.constant 0 : i32
      %dma_start3A_131 = tpu.memref_slice %arg6[%add3A_129, %dma_start3A_130] : memref<640x640xf32, #tpu.memory_space<hbm>> -> memref<1x640xf32, #tpu.memory_space<hbm>>
      %dma_start3A_132 = tpu.memref_squeeze %dma_start3A_131 : memref<1x640xf32, #tpu.memory_space<hbm>> -> memref<640xf32, #tpu.memory_space<hbm>>
      %dma_start3A_133 = tpu.memref_slice %arg10[%mul3A_127] : memref<409600xf32, #tpu.memory_space<vmem_shared>> -> memref<640xf32, #tpu.memory_space<vmem_shared>>
      tpu.enqueue_dma source(%dma_start3A_133 : memref<640xf32, #tpu.memory_space<vmem_shared>>) target(%dma_start3A_132 : memref<640xf32, #tpu.memory_space<hbm>>) target_semaphore(%arg11 : memref<!tpu.dma_semaphore, #tpu.memory_space<semaphore_mem>>)
      %add3A_134 = arith.constant 2 : i32
      %add3A_135 = arith.addi %mul3A_7, %add3A_134 : i32
      %mul3A_136 = arith.constant 640 : i32
      %mul3A_137 = arith.muli %add3A_135, %mul3A_136 : i32
      %add3A_138 = arith.constant 2 : i32
      %add3A_139 = arith.addi %mul3A_7, %add3A_138 : i32
      %dma_start3A_140 = arith.constant 0 : i32
      %dma_start3A_141 = tpu.memref_slice %arg6[%add3A_139, %dma_start3A_140] : memref<640x640xf32, #tpu.memory_space<hbm>> -> memref<1x640xf32, #tpu.memory_space<hbm>>
      %dma_start3A_142 = tpu.memref_squeeze %dma_start3A_141 : memref<1x640xf32, #tpu.memory_space<hbm>> -> memref<640xf32, #tpu.memory_space<hbm>>
      %dma_start3A_143 = tpu.memref_slice %arg10[%mul3A_137] : memref<409600xf32, #tpu.memory_space<vmem_shared>> -> memref<640xf32, #tpu.memory_space<vmem_shared>>
      tpu.enqueue_dma source(%dma_start3A_143 : memref<640xf32, #tpu.memory_space<vmem_shared>>) target(%dma_start3A_142 : memref<640xf32, #tpu.memory_space<hbm>>) target_semaphore(%arg11 : memref<!tpu.dma_semaphore, #tpu.memory_space<semaphore_mem>>)
      %add3A_144 = arith.constant 3 : i32
      %add3A_145 = arith.addi %mul3A_7, %add3A_144 : i32
      %mul3A_146 = arith.constant 640 : i32
      %mul3A_147 = arith.muli %add3A_145, %mul3A_146 : i32
      %add3A_148 = arith.constant 3 : i32
      %add3A_149 = arith.addi %mul3A_7, %add3A_148 : i32
      %dma_start3A_150 = arith.constant 0 : i32
      %dma_start3A_151 = tpu.memref_slice %arg6[%add3A_149, %dma_start3A_150] : memref<640x640xf32, #tpu.memory_space<hbm>> -> memref<1x640xf32, #tpu.memory_space<hbm>>
      %dma_start3A_152 = tpu.memref_squeeze %dma_start3A_151 : memref<1x640xf32, #tpu.memory_space<hbm>> -> memref<640xf32, #tpu.memory_space<hbm>>
      %dma_start3A_153 = tpu.memref_slice %arg10[%mul3A_147] : memref<409600xf32, #tpu.memory_space<vmem_shared>> -> memref<640xf32, #tpu.memory_space<vmem_shared>>
      tpu.enqueue_dma source(%dma_start3A_153 : memref<640xf32, #tpu.memory_space<vmem_shared>>) target(%dma_start3A_152 : memref<640xf32, #tpu.memory_space<hbm>>) target_semaphore(%arg11 : memref<!tpu.dma_semaphore, #tpu.memory_space<semaphore_mem>>)
      %add3A_154 = arith.constant 4 : i32
      %add3A_155 = arith.addi %mul3A_7, %add3A_154 : i32
      %mul3A_156 = arith.constant 640 : i32
      %mul3A_157 = arith.muli %add3A_155, %mul3A_156 : i32
      %add3A_158 = arith.constant 4 : i32
      %add3A_159 = arith.addi %mul3A_7, %add3A_158 : i32
      %dma_start3A_160 = arith.constant 0 : i32
      %dma_start3A_161 = tpu.memref_slice %arg6[%add3A_159, %dma_start3A_160] : memref<640x640xf32, #tpu.memory_space<hbm>> -> memref<1x640xf32, #tpu.memory_space<hbm>>
      %dma_start3A_162 = tpu.memref_squeeze %dma_start3A_161 : memref<1x640xf32, #tpu.memory_space<hbm>> -> memref<640xf32, #tpu.memory_space<hbm>>
      %dma_start3A_163 = tpu.memref_slice %arg10[%mul3A_157] : memref<409600xf32, #tpu.memory_space<vmem_shared>> -> memref<640xf32, #tpu.memory_space<vmem_shared>>
      tpu.enqueue_dma source(%dma_start3A_163 : memref<640xf32, #tpu.memory_space<vmem_shared>>) target(%dma_start3A_162 : memref<640xf32, #tpu.memory_space<hbm>>) target_semaphore(%arg11 : memref<!tpu.dma_semaphore, #tpu.memory_space<semaphore_mem>>)
      %add3A_164 = arith.constant 5 : i32
      %add3A_165 = arith.addi %mul3A_7, %add3A_164 : i32
      %mul3A_166 = arith.constant 640 : i32
      %mul3A_167 = arith.muli %add3A_165, %mul3A_166 : i32
      %add3A_168 = arith.constant 5 : i32
      %add3A_169 = arith.addi %mul3A_7, %add3A_168 : i32
      %dma_start3A_170 = arith.constant 0 : i32
      %dma_start3A_171 = tpu.memref_slice %arg6[%add3A_169, %dma_start3A_170] : memref<640x640xf32, #tpu.memory_space<hbm>> -> memref<1x640xf32, #tpu.memory_space<hbm>>
      %dma_start3A_172 = tpu.memref_squeeze %dma_start3A_171 : memref<1x640xf32, #tpu.memory_space<hbm>> -> memref<640xf32, #tpu.memory_space<hbm>>
      %dma_start3A_173 = tpu.memref_slice %arg10[%mul3A_167] : memref<409600xf32, #tpu.memory_space<vmem_shared>> -> memref<640xf32, #tpu.memory_space<vmem_shared>>
      tpu.enqueue_dma source(%dma_start3A_173 : memref<640xf32, #tpu.memory_space<vmem_shared>>) target(%dma_start3A_172 : memref<640xf32, #tpu.memory_space<hbm>>) target_semaphore(%arg11 : memref<!tpu.dma_semaphore, #tpu.memory_space<semaphore_mem>>)
      %add3A_174 = arith.constant 6 : i32
      %add3A_175 = arith.addi %mul3A_7, %add3A_174 : i32
      %mul3A_176 = arith.constant 640 : i32
      %mul3A_177 = arith.muli %add3A_175, %mul3A_176 : i32
      %add3A_178 = arith.constant 6 : i32
      %add3A_179 = arith.addi %mul3A_7, %add3A_178 : i32
      %dma_start3A_180 = arith.constant 0 : i32
      %dma_start3A_181 = tpu.memref_slice %arg6[%add3A_179, %dma_start3A_180] : memref<640x640xf32, #tpu.memory_space<hbm>> -> memref<1x640xf32, #tpu.memory_space<hbm>>
      %dma_start3A_182 = tpu.memref_squeeze %dma_start3A_181 : memref<1x640xf32, #tpu.memory_space<hbm>> -> memref<640xf32, #tpu.memory_space<hbm>>
      %dma_start3A_183 = tpu.memref_slice %arg10[%mul3A_177] : memref<409600xf32, #tpu.memory_space<vmem_shared>> -> memref<640xf32, #tpu.memory_space<vmem_shared>>
      tpu.enqueue_dma source(%dma_start3A_183 : memref<640xf32, #tpu.memory_space<vmem_shared>>) target(%dma_start3A_182 : memref<640xf32, #tpu.memory_space<hbm>>) target_semaphore(%arg11 : memref<!tpu.dma_semaphore, #tpu.memory_space<semaphore_mem>>)
      %add3A_184 = arith.constant 7 : i32
      %add3A_185 = arith.addi %mul3A_7, %add3A_184 : i32
      %mul3A_186 = arith.constant 640 : i32
      %mul3A_187 = arith.muli %add3A_185, %mul3A_186 : i32
      %add3A_188 = arith.constant 7 : i32
      %add3A_189 = arith.addi %mul3A_7, %add3A_188 : i32
      %dma_start3A_190 = arith.constant 0 : i32
      %dma_start3A_191 = tpu.memref_slice %arg6[%add3A_189, %dma_start3A_190] : memref<640x640xf32, #tpu.memory_space<hbm>> -> memref<1x640xf32, #tpu.memory_space<hbm>>
      %dma_start3A_192 = tpu.memref_squeeze %dma_start3A_191 : memref<1x640xf32, #tpu.memory_space<hbm>> -> memref<640xf32, #tpu.memory_space<hbm>>
      %dma_start3A_193 = tpu.memref_slice %arg10[%mul3A_187] : memref<409600xf32, #tpu.memory_space<vmem_shared>> -> memref<640xf32, #tpu.memory_space<vmem_shared>>
      tpu.enqueue_dma source(%dma_start3A_193 : memref<640xf32, #tpu.memory_space<vmem_shared>>) target(%dma_start3A_192 : memref<640xf32, #tpu.memory_space<hbm>>) target_semaphore(%arg11 : memref<!tpu.dma_semaphore, #tpu.memory_space<semaphore_mem>>)
      %add3A_194 = arith.constant 8 : i32
      %add3A_195 = arith.addi %mul3A_7, %add3A_194 : i32
      %mul3A_196 = arith.constant 640 : i32
      %mul3A_197 = arith.muli %add3A_195, %mul3A_196 : i32
      %add3A_198 = arith.constant 8 : i32
      %add3A_199 = arith.addi %mul3A_7, %add3A_198 : i32
      %dma_start3A_200 = arith.constant 0 : i32
      %dma_start3A_201 = tpu.memref_slice %arg6[%add3A_199, %dma_start3A_200] : memref<640x640xf32, #tpu.memory_space<hbm>> -> memref<1x640xf32, #tpu.memory_space<hbm>>
      %dma_start3A_202 = tpu.memref_squeeze %dma_start3A_201 : memref<1x640xf32, #tpu.memory_space<hbm>> -> memref<640xf32, #tpu.memory_space<hbm>>
      %dma_start3A_203 = tpu.memref_slice %arg10[%mul3A_197] : memref<409600xf32, #tpu.memory_space<vmem_shared>> -> memref<640xf32, #tpu.memory_space<vmem_shared>>
      tpu.enqueue_dma source(%dma_start3A_203 : memref<640xf32, #tpu.memory_space<vmem_shared>>) target(%dma_start3A_202 : memref<640xf32, #tpu.memory_space<hbm>>) target_semaphore(%arg11 : memref<!tpu.dma_semaphore, #tpu.memory_space<semaphore_mem>>)
      %add3A_204 = arith.constant 9 : i32
      %add3A_205 = arith.addi %mul3A_7, %add3A_204 : i32
      %mul3A_206 = arith.constant 640 : i32
      %mul3A_207 = arith.muli %add3A_205, %mul3A_206 : i32
      %add3A_208 = arith.constant 9 : i32
      %add3A_209 = arith.addi %mul3A_7, %add3A_208 : i32
      %dma_start3A_210 = arith.constant 0 : i32
      %dma_start3A_211 = tpu.memref_slice %arg6[%add3A_209, %dma_start3A_210] : memref<640x640xf32, #tpu.memory_space<hbm>> -> memref<1x640xf32, #tpu.memory_space<hbm>>
      %dma_start3A_212 = tpu.memref_squeeze %dma_start3A_211 : memref<1x640xf32, #tpu.memory_space<hbm>> -> memref<640xf32, #tpu.memory_space<hbm>>
      %dma_start3A_213 = tpu.memref_slice %arg10[%mul3A_207] : memref<409600xf32, #tpu.memory_space<vmem_shared>> -> memref<640xf32, #tpu.memory_space<vmem_shared>>
      tpu.enqueue_dma source(%dma_start3A_213 : memref<640xf32, #tpu.memory_space<vmem_shared>>) target(%dma_start3A_212 : memref<640xf32, #tpu.memory_space<hbm>>) target_semaphore(%arg11 : memref<!tpu.dma_semaphore, #tpu.memory_space<semaphore_mem>>)
      %add3A_214 = arith.constant 10 : i32
      %add3A_215 = arith.addi %mul3A_7, %add3A_214 : i32
      %mul3A_216 = arith.constant 640 : i32
      %mul3A_217 = arith.muli %add3A_215, %mul3A_216 : i32
      %add3A_218 = arith.constant 10 : i32
      %add3A_219 = arith.addi %mul3A_7, %add3A_218 : i32
      %dma_start3A_220 = arith.constant 0 : i32
      %dma_start3A_221 = tpu.memref_slice %arg6[%add3A_219, %dma_start3A_220] : memref<640x640xf32, #tpu.memory_space<hbm>> -> memref<1x640xf32, #tpu.memory_space<hbm>>
      %dma_start3A_222 = tpu.memref_squeeze %dma_start3A_221 : memref<1x640xf32, #tpu.memory_space<hbm>> -> memref<640xf32, #tpu.memory_space<hbm>>
      %dma_start3A_223 = tpu.memref_slice %arg10[%mul3A_217] : memref<409600xf32, #tpu.memory_space<vmem_shared>> -> memref<640xf32, #tpu.memory_space<vmem_shared>>
      tpu.enqueue_dma source(%dma_start3A_223 : memref<640xf32, #tpu.memory_space<vmem_shared>>) target(%dma_start3A_222 : memref<640xf32, #tpu.memory_space<hbm>>) target_semaphore(%arg11 : memref<!tpu.dma_semaphore, #tpu.memory_space<semaphore_mem>>)
      %add3A_224 = arith.constant 11 : i32
      %add3A_225 = arith.addi %mul3A_7, %add3A_224 : i32
      %mul3A_226 = arith.constant 640 : i32
      %mul3A_227 = arith.muli %add3A_225, %mul3A_226 : i32
      %add3A_228 = arith.constant 11 : i32
      %add3A_229 = arith.addi %mul3A_7, %add3A_228 : i32
      %dma_start3A_230 = arith.constant 0 : i32
      %dma_start3A_231 = tpu.memref_slice %arg6[%add3A_229, %dma_start3A_230] : memref<640x640xf32, #tpu.memory_space<hbm>> -> memref<1x640xf32, #tpu.memory_space<hbm>>
      %dma_start3A_232 = tpu.memref_squeeze %dma_start3A_231 : memref<1x640xf32, #tpu.memory_space<hbm>> -> memref<640xf32, #tpu.memory_space<hbm>>
      %dma_start3A_233 = tpu.memref_slice %arg10[%mul3A_227] : memref<409600xf32, #tpu.memory_space<vmem_shared>> -> memref<640xf32, #tpu.memory_space<vmem_shared>>
      tpu.enqueue_dma source(%dma_start3A_233 : memref<640xf32, #tpu.memory_space<vmem_shared>>) target(%dma_start3A_232 : memref<640xf32, #tpu.memory_space<hbm>>) target_semaphore(%arg11 : memref<!tpu.dma_semaphore, #tpu.memory_space<semaphore_mem>>)
      %add3A_234 = arith.constant 12 : i32
      %add3A_235 = arith.addi %mul3A_7, %add3A_234 : i32
      %mul3A_236 = arith.constant 640 : i32
      %mul3A_237 = arith.muli %add3A_235, %mul3A_236 : i32
      %add3A_238 = arith.constant 12 : i32
      %add3A_239 = arith.addi %mul3A_7, %add3A_238 : i32
      %dma_start3A_240 = arith.constant 0 : i32
      %dma_start3A_241 = tpu.memref_slice %arg6[%add3A_239, %dma_start3A_240] : memref<640x640xf32, #tpu.memory_space<hbm>> -> memref<1x640xf32, #tpu.memory_space<hbm>>
      %dma_start3A_242 = tpu.memref_squeeze %dma_start3A_241 : memref<1x640xf32, #tpu.memory_space<hbm>> -> memref<640xf32, #tpu.memory_space<hbm>>
      %dma_start3A_243 = tpu.memref_slice %arg10[%mul3A_237] : memref<409600xf32, #tpu.memory_space<vmem_shared>> -> memref<640xf32, #tpu.memory_space<vmem_shared>>
      tpu.enqueue_dma source(%dma_start3A_243 : memref<640xf32, #tpu.memory_space<vmem_shared>>) target(%dma_start3A_242 : memref<640xf32, #tpu.memory_space<hbm>>) target_semaphore(%arg11 : memref<!tpu.dma_semaphore, #tpu.memory_space<semaphore_mem>>)
      %add3A_244 = arith.constant 13 : i32
      %add3A_245 = arith.addi %mul3A_7, %add3A_244 : i32
      %mul3A_246 = arith.constant 640 : i32
      %mul3A_247 = arith.muli %add3A_245, %mul3A_246 : i32
      %add3A_248 = arith.constant 13 : i32
      %add3A_249 = arith.addi %mul3A_7, %add3A_248 : i32
      %dma_start3A_250 = arith.constant 0 : i32
      %dma_start3A_251 = tpu.memref_slice %arg6[%add3A_249, %dma_start3A_250] : memref<640x640xf32, #tpu.memory_space<hbm>> -> memref<1x640xf32, #tpu.memory_space<hbm>>
      %dma_start3A_252 = tpu.memref_squeeze %dma_start3A_251 : memref<1x640xf32, #tpu.memory_space<hbm>> -> memref<640xf32, #tpu.memory_space<hbm>>
      %dma_start3A_253 = tpu.memref_slice %arg10[%mul3A_247] : memref<409600xf32, #tpu.memory_space<vmem_shared>> -> memref<640xf32, #tpu.memory_space<vmem_shared>>
      tpu.enqueue_dma source(%dma_start3A_253 : memref<640xf32, #tpu.memory_space<vmem_shared>>) target(%dma_start3A_252 : memref<640xf32, #tpu.memory_space<hbm>>) target_semaphore(%arg11 : memref<!tpu.dma_semaphore, #tpu.memory_space<semaphore_mem>>)
      %add3A_254 = arith.constant 14 : i32
      %add3A_255 = arith.addi %mul3A_7, %add3A_254 : i32
      %mul3A_256 = arith.constant 640 : i32
      %mul3A_257 = arith.muli %add3A_255, %mul3A_256 : i32
      %add3A_258 = arith.constant 14 : i32
      %add3A_259 = arith.addi %mul3A_7, %add3A_258 : i32
      %dma_start3A_260 = arith.constant 0 : i32
      %dma_start3A_261 = tpu.memref_slice %arg6[%add3A_259, %dma_start3A_260] : memref<640x640xf32, #tpu.memory_space<hbm>> -> memref<1x640xf32, #tpu.memory_space<hbm>>
      %dma_start3A_262 = tpu.memref_squeeze %dma_start3A_261 : memref<1x640xf32, #tpu.memory_space<hbm>> -> memref<640xf32, #tpu.memory_space<hbm>>
      %dma_start3A_263 = tpu.memref_slice %arg10[%mul3A_257] : memref<409600xf32, #tpu.memory_space<vmem_shared>> -> memref<640xf32, #tpu.memory_space<vmem_shared>>
      tpu.enqueue_dma source(%dma_start3A_263 : memref<640xf32, #tpu.memory_space<vmem_shared>>) target(%dma_start3A_262 : memref<640xf32, #tpu.memory_space<hbm>>) target_semaphore(%arg11 : memref<!tpu.dma_semaphore, #tpu.memory_space<semaphore_mem>>)
      %add3A_264 = arith.constant 15 : i32
      %add3A_265 = arith.addi %mul3A_7, %add3A_264 : i32
      %mul3A_266 = arith.constant 640 : i32
      %mul3A_267 = arith.muli %add3A_265, %mul3A_266 : i32
      %add3A_268 = arith.constant 15 : i32
      %add3A_269 = arith.addi %mul3A_7, %add3A_268 : i32
      %dma_start3A_270 = arith.constant 0 : i32
      %dma_start3A_271 = tpu.memref_slice %arg6[%add3A_269, %dma_start3A_270] : memref<640x640xf32, #tpu.memory_space<hbm>> -> memref<1x640xf32, #tpu.memory_space<hbm>>
      %dma_start3A_272 = tpu.memref_squeeze %dma_start3A_271 : memref<1x640xf32, #tpu.memory_space<hbm>> -> memref<640xf32, #tpu.memory_space<hbm>>
      %dma_start3A_273 = tpu.memref_slice %arg10[%mul3A_267] : memref<409600xf32, #tpu.memory_space<vmem_shared>> -> memref<640xf32, #tpu.memory_space<vmem_shared>>
      tpu.enqueue_dma source(%dma_start3A_273 : memref<640xf32, #tpu.memory_space<vmem_shared>>) target(%dma_start3A_272 : memref<640xf32, #tpu.memory_space<hbm>>) target_semaphore(%arg11 : memref<!tpu.dma_semaphore, #tpu.memory_space<semaphore_mem>>)
      %add3A_274 = arith.constant 16 : i32
      %add3A_275 = arith.addi %mul3A_7, %add3A_274 : i32
      %mul3A_276 = arith.constant 640 : i32
      %mul3A_277 = arith.muli %add3A_275, %mul3A_276 : i32
      %add3A_278 = arith.constant 16 : i32
      %add3A_279 = arith.addi %mul3A_7, %add3A_278 : i32
      %dma_start3A_280 = arith.constant 0 : i32
      %dma_start3A_281 = tpu.memref_slice %arg6[%add3A_279, %dma_start3A_280] : memref<640x640xf32, #tpu.memory_space<hbm>> -> memref<1x640xf32, #tpu.memory_space<hbm>>
      %dma_start3A_282 = tpu.memref_squeeze %dma_start3A_281 : memref<1x640xf32, #tpu.memory_space<hbm>> -> memref<640xf32, #tpu.memory_space<hbm>>
      %dma_start3A_283 = tpu.memref_slice %arg10[%mul3A_277] : memref<409600xf32, #tpu.memory_space<vmem_shared>> -> memref<640xf32, #tpu.memory_space<vmem_shared>>
      tpu.enqueue_dma source(%dma_start3A_283 : memref<640xf32, #tpu.memory_space<vmem_shared>>) target(%dma_start3A_282 : memref<640xf32, #tpu.memory_space<hbm>>) target_semaphore(%arg11 : memref<!tpu.dma_semaphore, #tpu.memory_space<semaphore_mem>>)
      %add3A_284 = arith.constant 17 : i32
      %add3A_285 = arith.addi %mul3A_7, %add3A_284 : i32
      %mul3A_286 = arith.constant 640 : i32
      %mul3A_287 = arith.muli %add3A_285, %mul3A_286 : i32
      %add3A_288 = arith.constant 17 : i32
      %add3A_289 = arith.addi %mul3A_7, %add3A_288 : i32
      %dma_start3A_290 = arith.constant 0 : i32
      %dma_start3A_291 = tpu.memref_slice %arg6[%add3A_289, %dma_start3A_290] : memref<640x640xf32, #tpu.memory_space<hbm>> -> memref<1x640xf32, #tpu.memory_space<hbm>>
      %dma_start3A_292 = tpu.memref_squeeze %dma_start3A_291 : memref<1x640xf32, #tpu.memory_space<hbm>> -> memref<640xf32, #tpu.memory_space<hbm>>
      %dma_start3A_293 = tpu.memref_slice %arg10[%mul3A_287] : memref<409600xf32, #tpu.memory_space<vmem_shared>> -> memref<640xf32, #tpu.memory_space<vmem_shared>>
      tpu.enqueue_dma source(%dma_start3A_293 : memref<640xf32, #tpu.memory_space<vmem_shared>>) target(%dma_start3A_292 : memref<640xf32, #tpu.memory_space<hbm>>) target_semaphore(%arg11 : memref<!tpu.dma_semaphore, #tpu.memory_space<semaphore_mem>>)
      %add3A_294 = arith.constant 18 : i32
      %add3A_295 = arith.addi %mul3A_7, %add3A_294 : i32
      %mul3A_296 = arith.constant 640 : i32
      %mul3A_297 = arith.muli %add3A_295, %mul3A_296 : i32
      %add3A_298 = arith.constant 18 : i32
      %add3A_299 = arith.addi %mul3A_7, %add3A_298 : i32
      %dma_start3A_300 = arith.constant 0 : i32
      %dma_start3A_301 = tpu.memref_slice %arg6[%add3A_299, %dma_start3A_300] : memref<640x640xf32, #tpu.memory_space<hbm>> -> memref<1x640xf32, #tpu.memory_space<hbm>>
      %dma_start3A_302 = tpu.memref_squeeze %dma_start3A_301 : memref<1x640xf32, #tpu.memory_space<hbm>> -> memref<640xf32, #tpu.memory_space<hbm>>
      %dma_start3A_303 = tpu.memref_slice %arg10[%mul3A_297] : memref<409600xf32, #tpu.memory_space<vmem_shared>> -> memref<640xf32, #tpu.memory_space<vmem_shared>>
      tpu.enqueue_dma source(%dma_start3A_303 : memref<640xf32, #tpu.memory_space<vmem_shared>>) target(%dma_start3A_302 : memref<640xf32, #tpu.memory_space<hbm>>) target_semaphore(%arg11 : memref<!tpu.dma_semaphore, #tpu.memory_space<semaphore_mem>>)
      %add3A_304 = arith.constant 19 : i32
      %add3A_305 = arith.addi %mul3A_7, %add3A_304 : i32
      %mul3A_306 = arith.constant 640 : i32
      %mul3A_307 = arith.muli %add3A_305, %mul3A_306 : i32
      %add3A_308 = arith.constant 19 : i32
      %add3A_309 = arith.addi %mul3A_7, %add3A_308 : i32
      %dma_start3A_310 = arith.constant 0 : i32
      %dma_start3A_311 = tpu.memref_slice %arg6[%add3A_309, %dma_start3A_310] : memref<640x640xf32, #tpu.memory_space<hbm>> -> memref<1x640xf32, #tpu.memory_space<hbm>>
      %dma_start3A_312 = tpu.memref_squeeze %dma_start3A_311 : memref<1x640xf32, #tpu.memory_space<hbm>> -> memref<640xf32, #tpu.memory_space<hbm>>
      %dma_start3A_313 = tpu.memref_slice %arg10[%mul3A_307] : memref<409600xf32, #tpu.memory_space<vmem_shared>> -> memref<640xf32, #tpu.memory_space<vmem_shared>>
      tpu.enqueue_dma source(%dma_start3A_313 : memref<640xf32, #tpu.memory_space<vmem_shared>>) target(%dma_start3A_312 : memref<640xf32, #tpu.memory_space<hbm>>) target_semaphore(%arg11 : memref<!tpu.dma_semaphore, #tpu.memory_space<semaphore_mem>>)
      %add3A_314 = arith.constant 20 : i32
      %add3A_315 = arith.addi %mul3A_7, %add3A_314 : i32
      %mul3A_316 = arith.constant 640 : i32
      %mul3A_317 = arith.muli %add3A_315, %mul3A_316 : i32
      %add3A_318 = arith.constant 20 : i32
      %add3A_319 = arith.addi %mul3A_7, %add3A_318 : i32
      %dma_start3A_320 = arith.constant 0 : i32
      %dma_start3A_321 = tpu.memref_slice %arg6[%add3A_319, %dma_start3A_320] : memref<640x640xf32, #tpu.memory_space<hbm>> -> memref<1x640xf32, #tpu.memory_space<hbm>>
      %dma_start3A_322 = tpu.memref_squeeze %dma_start3A_321 : memref<1x640xf32, #tpu.memory_space<hbm>> -> memref<640xf32, #tpu.memory_space<hbm>>
      %dma_start3A_323 = tpu.memref_slice %arg10[%mul3A_317] : memref<409600xf32, #tpu.memory_space<vmem_shared>> -> memref<640xf32, #tpu.memory_space<vmem_shared>>
      tpu.enqueue_dma source(%dma_start3A_323 : memref<640xf32, #tpu.memory_space<vmem_shared>>) target(%dma_start3A_322 : memref<640xf32, #tpu.memory_space<hbm>>) target_semaphore(%arg11 : memref<!tpu.dma_semaphore, #tpu.memory_space<semaphore_mem>>)
      %add3A_324 = arith.constant 21 : i32
      %add3A_325 = arith.addi %mul3A_7, %add3A_324 : i32
      %mul3A_326 = arith.constant 640 : i32
      %mul3A_327 = arith.muli %add3A_325, %mul3A_326 : i32
      %add3A_328 = arith.constant 21 : i32
      %add3A_329 = arith.addi %mul3A_7, %add3A_328 : i32
      %dma_start3A_330 = arith.constant 0 : i32
      %dma_start3A_331 = tpu.memref_slice %arg6[%add3A_329, %dma_start3A_330] : memref<640x640xf32, #tpu.memory_space<hbm>> -> memref<1x640xf32, #tpu.memory_space<hbm>>
      %dma_start3A_332 = tpu.memref_squeeze %dma_start3A_331 : memref<1x640xf32, #tpu.memory_space<hbm>> -> memref<640xf32, #tpu.memory_space<hbm>>
      %dma_start3A_333 = tpu.memref_slice %arg10[%mul3A_327] : memref<409600xf32, #tpu.memory_space<vmem_shared>> -> memref<640xf32, #tpu.memory_space<vmem_shared>>
      tpu.enqueue_dma source(%dma_start3A_333 : memref<640xf32, #tpu.memory_space<vmem_shared>>) target(%dma_start3A_332 : memref<640xf32, #tpu.memory_space<hbm>>) target_semaphore(%arg11 : memref<!tpu.dma_semaphore, #tpu.memory_space<semaphore_mem>>)
      %add3A_334 = arith.constant 22 : i32
      %add3A_335 = arith.addi %mul3A_7, %add3A_334 : i32
      %mul3A_336 = arith.constant 640 : i32
      %mul3A_337 = arith.muli %add3A_335, %mul3A_336 : i32
      %add3A_338 = arith.constant 22 : i32
      %add3A_339 = arith.addi %mul3A_7, %add3A_338 : i32
      %dma_start3A_340 = arith.constant 0 : i32
      %dma_start3A_341 = tpu.memref_slice %arg6[%add3A_339, %dma_start3A_340] : memref<640x640xf32, #tpu.memory_space<hbm>> -> memref<1x640xf32, #tpu.memory_space<hbm>>
      %dma_start3A_342 = tpu.memref_squeeze %dma_start3A_341 : memref<1x640xf32, #tpu.memory_space<hbm>> -> memref<640xf32, #tpu.memory_space<hbm>>
      %dma_start3A_343 = tpu.memref_slice %arg10[%mul3A_337] : memref<409600xf32, #tpu.memory_space<vmem_shared>> -> memref<640xf32, #tpu.memory_space<vmem_shared>>
      tpu.enqueue_dma source(%dma_start3A_343 : memref<640xf32, #tpu.memory_space<vmem_shared>>) target(%dma_start3A_342 : memref<640xf32, #tpu.memory_space<hbm>>) target_semaphore(%arg11 : memref<!tpu.dma_semaphore, #tpu.memory_space<semaphore_mem>>)
      %add3A_344 = arith.constant 23 : i32
      %add3A_345 = arith.addi %mul3A_7, %add3A_344 : i32
      %mul3A_346 = arith.constant 640 : i32
      %mul3A_347 = arith.muli %add3A_345, %mul3A_346 : i32
      %add3A_348 = arith.constant 23 : i32
      %add3A_349 = arith.addi %mul3A_7, %add3A_348 : i32
      %dma_start3A_350 = arith.constant 0 : i32
      %dma_start3A_351 = tpu.memref_slice %arg6[%add3A_349, %dma_start3A_350] : memref<640x640xf32, #tpu.memory_space<hbm>> -> memref<1x640xf32, #tpu.memory_space<hbm>>
      %dma_start3A_352 = tpu.memref_squeeze %dma_start3A_351 : memref<1x640xf32, #tpu.memory_space<hbm>> -> memref<640xf32, #tpu.memory_space<hbm>>
      %dma_start3A_353 = tpu.memref_slice %arg10[%mul3A_347] : memref<409600xf32, #tpu.memory_space<vmem_shared>> -> memref<640xf32, #tpu.memory_space<vmem_shared>>
      tpu.enqueue_dma source(%dma_start3A_353 : memref<640xf32, #tpu.memory_space<vmem_shared>>) target(%dma_start3A_352 : memref<640xf32, #tpu.memory_space<hbm>>) target_semaphore(%arg11 : memref<!tpu.dma_semaphore, #tpu.memory_space<semaphore_mem>>)
      %add3A_354 = arith.constant 24 : i32
      %add3A_355 = arith.addi %mul3A_7, %add3A_354 : i32
      %mul3A_356 = arith.constant 640 : i32
      %mul3A_357 = arith.muli %add3A_355, %mul3A_356 : i32
      %add3A_358 = arith.constant 24 : i32
      %add3A_359 = arith.addi %mul3A_7, %add3A_358 : i32
      %dma_start3A_360 = arith.constant 0 : i32
      %dma_start3A_361 = tpu.memref_slice %arg6[%add3A_359, %dma_start3A_360] : memref<640x640xf32, #tpu.memory_space<hbm>> -> memref<1x640xf32, #tpu.memory_space<hbm>>
      %dma_start3A_362 = tpu.memref_squeeze %dma_start3A_361 : memref<1x640xf32, #tpu.memory_space<hbm>> -> memref<640xf32, #tpu.memory_space<hbm>>
      %dma_start3A_363 = tpu.memref_slice %arg10[%mul3A_357] : memref<409600xf32, #tpu.memory_space<vmem_shared>> -> memref<640xf32, #tpu.memory_space<vmem_shared>>
      tpu.enqueue_dma source(%dma_start3A_363 : memref<640xf32, #tpu.memory_space<vmem_shared>>) target(%dma_start3A_362 : memref<640xf32, #tpu.memory_space<hbm>>) target_semaphore(%arg11 : memref<!tpu.dma_semaphore, #tpu.memory_space<semaphore_mem>>)
      %add3A_364 = arith.constant 25 : i32
      %add3A_365 = arith.addi %mul3A_7, %add3A_364 : i32
      %mul3A_366 = arith.constant 640 : i32
      %mul3A_367 = arith.muli %add3A_365, %mul3A_366 : i32
      %add3A_368 = arith.constant 25 : i32
      %add3A_369 = arith.addi %mul3A_7, %add3A_368 : i32
      %dma_start3A_370 = arith.constant 0 : i32
      %dma_start3A_371 = tpu.memref_slice %arg6[%add3A_369, %dma_start3A_370] : memref<640x640xf32, #tpu.memory_space<hbm>> -> memref<1x640xf32, #tpu.memory_space<hbm>>
      %dma_start3A_372 = tpu.memref_squeeze %dma_start3A_371 : memref<1x640xf32, #tpu.memory_space<hbm>> -> memref<640xf32, #tpu.memory_space<hbm>>
      %dma_start3A_373 = tpu.memref_slice %arg10[%mul3A_367] : memref<409600xf32, #tpu.memory_space<vmem_shared>> -> memref<640xf32, #tpu.memory_space<vmem_shared>>
      tpu.enqueue_dma source(%dma_start3A_373 : memref<640xf32, #tpu.memory_space<vmem_shared>>) target(%dma_start3A_372 : memref<640xf32, #tpu.memory_space<hbm>>) target_semaphore(%arg11 : memref<!tpu.dma_semaphore, #tpu.memory_space<semaphore_mem>>)
      %add3A_374 = arith.constant 26 : i32
      %add3A_375 = arith.addi %mul3A_7, %add3A_374 : i32
      %mul3A_376 = arith.constant 640 : i32
      %mul3A_377 = arith.muli %add3A_375, %mul3A_376 : i32
      %add3A_378 = arith.constant 26 : i32
      %add3A_379 = arith.addi %mul3A_7, %add3A_378 : i32
      %dma_start3A_380 = arith.constant 0 : i32
      %dma_start3A_381 = tpu.memref_slice %arg6[%add3A_379, %dma_start3A_380] : memref<640x640xf32, #tpu.memory_space<hbm>> -> memref<1x640xf32, #tpu.memory_space<hbm>>
      %dma_start3A_382 = tpu.memref_squeeze %dma_start3A_381 : memref<1x640xf32, #tpu.memory_space<hbm>> -> memref<640xf32, #tpu.memory_space<hbm>>
      %dma_start3A_383 = tpu.memref_slice %arg10[%mul3A_377] : memref<409600xf32, #tpu.memory_space<vmem_shared>> -> memref<640xf32, #tpu.memory_space<vmem_shared>>
      tpu.enqueue_dma source(%dma_start3A_383 : memref<640xf32, #tpu.memory_space<vmem_shared>>) target(%dma_start3A_382 : memref<640xf32, #tpu.memory_space<hbm>>) target_semaphore(%arg11 : memref<!tpu.dma_semaphore, #tpu.memory_space<semaphore_mem>>)
      %add3A_384 = arith.constant 27 : i32
      %add3A_385 = arith.addi %mul3A_7, %add3A_384 : i32
      %mul3A_386 = arith.constant 640 : i32
      %mul3A_387 = arith.muli %add3A_385, %mul3A_386 : i32
      %add3A_388 = arith.constant 27 : i32
      %add3A_389 = arith.addi %mul3A_7, %add3A_388 : i32
      %dma_start3A_390 = arith.constant 0 : i32
      %dma_start3A_391 = tpu.memref_slice %arg6[%add3A_389, %dma_start3A_390] : memref<640x640xf32, #tpu.memory_space<hbm>> -> memref<1x640xf32, #tpu.memory_space<hbm>>
      %dma_start3A_392 = tpu.memref_squeeze %dma_start3A_391 : memref<1x640xf32, #tpu.memory_space<hbm>> -> memref<640xf32, #tpu.memory_space<hbm>>
      %dma_start3A_393 = tpu.memref_slice %arg10[%mul3A_387] : memref<409600xf32, #tpu.memory_space<vmem_shared>> -> memref<640xf32, #tpu.memory_space<vmem_shared>>
      tpu.enqueue_dma source(%dma_start3A_393 : memref<640xf32, #tpu.memory_space<vmem_shared>>) target(%dma_start3A_392 : memref<640xf32, #tpu.memory_space<hbm>>) target_semaphore(%arg11 : memref<!tpu.dma_semaphore, #tpu.memory_space<semaphore_mem>>)
      %add3A_394 = arith.constant 28 : i32
      %add3A_395 = arith.addi %mul3A_7, %add3A_394 : i32
      %mul3A_396 = arith.constant 640 : i32
      %mul3A_397 = arith.muli %add3A_395, %mul3A_396 : i32
      %add3A_398 = arith.constant 28 : i32
      %add3A_399 = arith.addi %mul3A_7, %add3A_398 : i32
      %dma_start3A_400 = arith.constant 0 : i32
      %dma_start3A_401 = tpu.memref_slice %arg6[%add3A_399, %dma_start3A_400] : memref<640x640xf32, #tpu.memory_space<hbm>> -> memref<1x640xf32, #tpu.memory_space<hbm>>
      %dma_start3A_402 = tpu.memref_squeeze %dma_start3A_401 : memref<1x640xf32, #tpu.memory_space<hbm>> -> memref<640xf32, #tpu.memory_space<hbm>>
      %dma_start3A_403 = tpu.memref_slice %arg10[%mul3A_397] : memref<409600xf32, #tpu.memory_space<vmem_shared>> -> memref<640xf32, #tpu.memory_space<vmem_shared>>
      tpu.enqueue_dma source(%dma_start3A_403 : memref<640xf32, #tpu.memory_space<vmem_shared>>) target(%dma_start3A_402 : memref<640xf32, #tpu.memory_space<hbm>>) target_semaphore(%arg11 : memref<!tpu.dma_semaphore, #tpu.memory_space<semaphore_mem>>)
      %add3A_404 = arith.constant 29 : i32
      %add3A_405 = arith.addi %mul3A_7, %add3A_404 : i32
      %mul3A_406 = arith.constant 640 : i32
      %mul3A_407 = arith.muli %add3A_405, %mul3A_406 : i32
      %add3A_408 = arith.constant 29 : i32
      %add3A_409 = arith.addi %mul3A_7, %add3A_408 : i32
      %dma_start3A_410 = arith.constant 0 : i32
      %dma_start3A_411 = tpu.memref_slice %arg6[%add3A_409, %dma_start3A_410] : memref<640x640xf32, #tpu.memory_space<hbm>> -> memref<1x640xf32, #tpu.memory_space<hbm>>
      %dma_start3A_412 = tpu.memref_squeeze %dma_start3A_411 : memref<1x640xf32, #tpu.memory_space<hbm>> -> memref<640xf32, #tpu.memory_space<hbm>>
      %dma_start3A_413 = tpu.memref_slice %arg10[%mul3A_407] : memref<409600xf32, #tpu.memory_space<vmem_shared>> -> memref<640xf32, #tpu.memory_space<vmem_shared>>
      tpu.enqueue_dma source(%dma_start3A_413 : memref<640xf32, #tpu.memory_space<vmem_shared>>) target(%dma_start3A_412 : memref<640xf32, #tpu.memory_space<hbm>>) target_semaphore(%arg11 : memref<!tpu.dma_semaphore, #tpu.memory_space<semaphore_mem>>)
      %add3A_414 = arith.constant 30 : i32
      %add3A_415 = arith.addi %mul3A_7, %add3A_414 : i32
      %mul3A_416 = arith.constant 640 : i32
      %mul3A_417 = arith.muli %add3A_415, %mul3A_416 : i32
      %add3A_418 = arith.constant 30 : i32
      %add3A_419 = arith.addi %mul3A_7, %add3A_418 : i32
      %dma_start3A_420 = arith.constant 0 : i32
      %dma_start3A_421 = tpu.memref_slice %arg6[%add3A_419, %dma_start3A_420] : memref<640x640xf32, #tpu.memory_space<hbm>> -> memref<1x640xf32, #tpu.memory_space<hbm>>
      %dma_start3A_422 = tpu.memref_squeeze %dma_start3A_421 : memref<1x640xf32, #tpu.memory_space<hbm>> -> memref<640xf32, #tpu.memory_space<hbm>>
      %dma_start3A_423 = tpu.memref_slice %arg10[%mul3A_417] : memref<409600xf32, #tpu.memory_space<vmem_shared>> -> memref<640xf32, #tpu.memory_space<vmem_shared>>
      tpu.enqueue_dma source(%dma_start3A_423 : memref<640xf32, #tpu.memory_space<vmem_shared>>) target(%dma_start3A_422 : memref<640xf32, #tpu.memory_space<hbm>>) target_semaphore(%arg11 : memref<!tpu.dma_semaphore, #tpu.memory_space<semaphore_mem>>)
      %add3A_424 = arith.constant 31 : i32
      %add3A_425 = arith.addi %mul3A_7, %add3A_424 : i32
      %mul3A_426 = arith.constant 640 : i32
      %mul3A_427 = arith.muli %add3A_425, %mul3A_426 : i32
      %add3A_428 = arith.constant 31 : i32
      %add3A_429 = arith.addi %mul3A_7, %add3A_428 : i32
      %dma_start3A_430 = arith.constant 0 : i32
      %dma_start3A_431 = tpu.memref_slice %arg6[%add3A_429, %dma_start3A_430] : memref<640x640xf32, #tpu.memory_space<hbm>> -> memref<1x640xf32, #tpu.memory_space<hbm>>
      %dma_start3A_432 = tpu.memref_squeeze %dma_start3A_431 : memref<1x640xf32, #tpu.memory_space<hbm>> -> memref<640xf32, #tpu.memory_space<hbm>>
      %dma_start3A_433 = tpu.memref_slice %arg10[%mul3A_427] : memref<409600xf32, #tpu.memory_space<vmem_shared>> -> memref<640xf32, #tpu.memory_space<vmem_shared>>
      tpu.enqueue_dma source(%dma_start3A_433 : memref<640xf32, #tpu.memory_space<vmem_shared>>) target(%dma_start3A_432 : memref<640xf32, #tpu.memory_space<hbm>>) target_semaphore(%arg11 : memref<!tpu.dma_semaphore, #tpu.memory_space<semaphore_mem>>)
      %add3A_434 = arith.constant 32 : i32
      %add3A_435 = arith.addi %mul3A_7, %add3A_434 : i32
      %mul3A_436 = arith.constant 640 : i32
      %mul3A_437 = arith.muli %add3A_435, %mul3A_436 : i32
      %add3A_438 = arith.constant 32 : i32
      %add3A_439 = arith.addi %mul3A_7, %add3A_438 : i32
      %dma_start3A_440 = arith.constant 0 : i32
      %dma_start3A_441 = tpu.memref_slice %arg6[%add3A_439, %dma_start3A_440] : memref<640x640xf32, #tpu.memory_space<hbm>> -> memref<1x640xf32, #tpu.memory_space<hbm>>
      %dma_start3A_442 = tpu.memref_squeeze %dma_start3A_441 : memref<1x640xf32, #tpu.memory_space<hbm>> -> memref<640xf32, #tpu.memory_space<hbm>>
      %dma_start3A_443 = tpu.memref_slice %arg10[%mul3A_437] : memref<409600xf32, #tpu.memory_space<vmem_shared>> -> memref<640xf32, #tpu.memory_space<vmem_shared>>
      tpu.enqueue_dma source(%dma_start3A_443 : memref<640xf32, #tpu.memory_space<vmem_shared>>) target(%dma_start3A_442 : memref<640xf32, #tpu.memory_space<hbm>>) target_semaphore(%arg11 : memref<!tpu.dma_semaphore, #tpu.memory_space<semaphore_mem>>)
      %add3A_444 = arith.constant 33 : i32
      %add3A_445 = arith.addi %mul3A_7, %add3A_444 : i32
      %mul3A_446 = arith.constant 640 : i32
      %mul3A_447 = arith.muli %add3A_445, %mul3A_446 : i32
      %add3A_448 = arith.constant 33 : i32
      %add3A_449 = arith.addi %mul3A_7, %add3A_448 : i32
      %dma_start3A_450 = arith.constant 0 : i32
      %dma_start3A_451 = tpu.memref_slice %arg6[%add3A_449, %dma_start3A_450] : memref<640x640xf32, #tpu.memory_space<hbm>> -> memref<1x640xf32, #tpu.memory_space<hbm>>
      %dma_start3A_452 = tpu.memref_squeeze %dma_start3A_451 : memref<1x640xf32, #tpu.memory_space<hbm>> -> memref<640xf32, #tpu.memory_space<hbm>>
      %dma_start3A_453 = tpu.memref_slice %arg10[%mul3A_447] : memref<409600xf32, #tpu.memory_space<vmem_shared>> -> memref<640xf32, #tpu.memory_space<vmem_shared>>
      tpu.enqueue_dma source(%dma_start3A_453 : memref<640xf32, #tpu.memory_space<vmem_shared>>) target(%dma_start3A_452 : memref<640xf32, #tpu.memory_space<hbm>>) target_semaphore(%arg11 : memref<!tpu.dma_semaphore, #tpu.memory_space<semaphore_mem>>)
      %add3A_454 = arith.constant 34 : i32
      %add3A_455 = arith.addi %mul3A_7, %add3A_454 : i32
      %mul3A_456 = arith.constant 640 : i32
      %mul3A_457 = arith.muli %add3A_455, %mul3A_456 : i32
      %add3A_458 = arith.constant 34 : i32
      %add3A_459 = arith.addi %mul3A_7, %add3A_458 : i32
      %dma_start3A_460 = arith.constant 0 : i32
      %dma_start3A_461 = tpu.memref_slice %arg6[%add3A_459, %dma_start3A_460] : memref<640x640xf32, #tpu.memory_space<hbm>> -> memref<1x640xf32, #tpu.memory_space<hbm>>
      %dma_start3A_462 = tpu.memref_squeeze %dma_start3A_461 : memref<1x640xf32, #tpu.memory_space<hbm>> -> memref<640xf32, #tpu.memory_space<hbm>>
      %dma_start3A_463 = tpu.memref_slice %arg10[%mul3A_457] : memref<409600xf32, #tpu.memory_space<vmem_shared>> -> memref<640xf32, #tpu.memory_space<vmem_shared>>
      tpu.enqueue_dma source(%dma_start3A_463 : memref<640xf32, #tpu.memory_space<vmem_shared>>) target(%dma_start3A_462 : memref<640xf32, #tpu.memory_space<hbm>>) target_semaphore(%arg11 : memref<!tpu.dma_semaphore, #tpu.memory_space<semaphore_mem>>)
      %add3A_464 = arith.constant 35 : i32
      %add3A_465 = arith.addi %mul3A_7, %add3A_464 : i32
      %mul3A_466 = arith.constant 640 : i32
      %mul3A_467 = arith.muli %add3A_465, %mul3A_466 : i32
      %add3A_468 = arith.constant 35 : i32
      %add3A_469 = arith.addi %mul3A_7, %add3A_468 : i32
      %dma_start3A_470 = arith.constant 0 : i32
      %dma_start3A_471 = tpu.memref_slice %arg6[%add3A_469, %dma_start3A_470] : memref<640x640xf32, #tpu.memory_space<hbm>> -> memref<1x640xf32, #tpu.memory_space<hbm>>
      %dma_start3A_472 = tpu.memref_squeeze %dma_start3A_471 : memref<1x640xf32, #tpu.memory_space<hbm>> -> memref<640xf32, #tpu.memory_space<hbm>>
      %dma_start3A_473 = tpu.memref_slice %arg10[%mul3A_467] : memref<409600xf32, #tpu.memory_space<vmem_shared>> -> memref<640xf32, #tpu.memory_space<vmem_shared>>
      tpu.enqueue_dma source(%dma_start3A_473 : memref<640xf32, #tpu.memory_space<vmem_shared>>) target(%dma_start3A_472 : memref<640xf32, #tpu.memory_space<hbm>>) target_semaphore(%arg11 : memref<!tpu.dma_semaphore, #tpu.memory_space<semaphore_mem>>)
      %add3A_474 = arith.constant 36 : i32
      %add3A_475 = arith.addi %mul3A_7, %add3A_474 : i32
      %mul3A_476 = arith.constant 640 : i32
      %mul3A_477 = arith.muli %add3A_475, %mul3A_476 : i32
      %add3A_478 = arith.constant 36 : i32
      %add3A_479 = arith.addi %mul3A_7, %add3A_478 : i32
      %dma_start3A_480 = arith.constant 0 : i32
      %dma_start3A_481 = tpu.memref_slice %arg6[%add3A_479, %dma_start3A_480] : memref<640x640xf32, #tpu.memory_space<hbm>> -> memref<1x640xf32, #tpu.memory_space<hbm>>
      %dma_start3A_482 = tpu.memref_squeeze %dma_start3A_481 : memref<1x640xf32, #tpu.memory_space<hbm>> -> memref<640xf32, #tpu.memory_space<hbm>>
      %dma_start3A_483 = tpu.memref_slice %arg10[%mul3A_477] : memref<409600xf32, #tpu.memory_space<vmem_shared>> -> memref<640xf32, #tpu.memory_space<vmem_shared>>
      tpu.enqueue_dma source(%dma_start3A_483 : memref<640xf32, #tpu.memory_space<vmem_shared>>) target(%dma_start3A_482 : memref<640xf32, #tpu.memory_space<hbm>>) target_semaphore(%arg11 : memref<!tpu.dma_semaphore, #tpu.memory_space<semaphore_mem>>)
      %add3A_484 = arith.constant 37 : i32
      %add3A_485 = arith.addi %mul3A_7, %add3A_484 : i32
      %mul3A_486 = arith.constant 640 : i32
      %mul3A_487 = arith.muli %add3A_485, %mul3A_486 : i32
      %add3A_488 = arith.constant 37 : i32
      %add3A_489 = arith.addi %mul3A_7, %add3A_488 : i32
      %dma_start3A_490 = arith.constant 0 : i32
      %dma_start3A_491 = tpu.memref_slice %arg6[%add3A_489, %dma_start3A_490] : memref<640x640xf32, #tpu.memory_space<hbm>> -> memref<1x640xf32, #tpu.memory_space<hbm>>
      %dma_start3A_492 = tpu.memref_squeeze %dma_start3A_491 : memref<1x640xf32, #tpu.memory_space<hbm>> -> memref<640xf32, #tpu.memory_space<hbm>>
      %dma_start3A_493 = tpu.memref_slice %arg10[%mul3A_487] : memref<409600xf32, #tpu.memory_space<vmem_shared>> -> memref<640xf32, #tpu.memory_space<vmem_shared>>
      tpu.enqueue_dma source(%dma_start3A_493 : memref<640xf32, #tpu.memory_space<vmem_shared>>) target(%dma_start3A_492 : memref<640xf32, #tpu.memory_space<hbm>>) target_semaphore(%arg11 : memref<!tpu.dma_semaphore, #tpu.memory_space<semaphore_mem>>)
      %add3A_494 = arith.constant 38 : i32
      %add3A_495 = arith.addi %mul3A_7, %add3A_494 : i32
      %mul3A_496 = arith.constant 640 : i32
      %mul3A_497 = arith.muli %add3A_495, %mul3A_496 : i32
      %add3A_498 = arith.constant 38 : i32
      %add3A_499 = arith.addi %mul3A_7, %add3A_498 : i32
      %dma_start3A_500 = arith.constant 0 : i32
      %dma_start3A_501 = tpu.memref_slice %arg6[%add3A_499, %dma_start3A_500] : memref<640x640xf32, #tpu.memory_space<hbm>> -> memref<1x640xf32, #tpu.memory_space<hbm>>
      %dma_start3A_502 = tpu.memref_squeeze %dma_start3A_501 : memref<1x640xf32, #tpu.memory_space<hbm>> -> memref<640xf32, #tpu.memory_space<hbm>>
      %dma_start3A_503 = tpu.memref_slice %arg10[%mul3A_497] : memref<409600xf32, #tpu.memory_space<vmem_shared>> -> memref<640xf32, #tpu.memory_space<vmem_shared>>
      tpu.enqueue_dma source(%dma_start3A_503 : memref<640xf32, #tpu.memory_space<vmem_shared>>) target(%dma_start3A_502 : memref<640xf32, #tpu.memory_space<hbm>>) target_semaphore(%arg11 : memref<!tpu.dma_semaphore, #tpu.memory_space<semaphore_mem>>)
      %add3A_504 = arith.constant 39 : i32
      %add3A_505 = arith.addi %mul3A_7, %add3A_504 : i32
      %mul3A_506 = arith.constant 640 : i32
      %mul3A_507 = arith.muli %add3A_505, %mul3A_506 : i32
      %add3A_508 = arith.constant 39 : i32
      %add3A_509 = arith.addi %mul3A_7, %add3A_508 : i32
      %dma_start3A_510 = arith.constant 0 : i32
      %dma_start3A_511 = tpu.memref_slice %arg6[%add3A_509, %dma_start3A_510] : memref<640x640xf32, #tpu.memory_space<hbm>> -> memref<1x640xf32, #tpu.memory_space<hbm>>
      %dma_start3A_512 = tpu.memref_squeeze %dma_start3A_511 : memref<1x640xf32, #tpu.memory_space<hbm>> -> memref<640xf32, #tpu.memory_space<hbm>>
      %dma_start3A_513 = tpu.memref_slice %arg10[%mul3A_507] : memref<409600xf32, #tpu.memory_space<vmem_shared>> -> memref<640xf32, #tpu.memory_space<vmem_shared>>
      tpu.enqueue_dma source(%dma_start3A_513 : memref<640xf32, #tpu.memory_space<vmem_shared>>) target(%dma_start3A_512 : memref<640xf32, #tpu.memory_space<hbm>>) target_semaphore(%arg11 : memref<!tpu.dma_semaphore, #tpu.memory_space<semaphore_mem>>)
      %dma_wait3A_514 = arith.constant 0 : i32
      %dma_wait3A_515 = tpu.memref_slice %arg6[%add3A_119, %dma_wait3A_514] : memref<640x640xf32, #tpu.memory_space<hbm>> -> memref<1x640xf32, #tpu.memory_space<hbm>>
      %dma_wait3A_516 = tpu.memref_squeeze %dma_wait3A_515 : memref<1x640xf32, #tpu.memory_space<hbm>> -> memref<640xf32, #tpu.memory_space<hbm>>
      %dma_wait3A_517 = tpu.memref_slice %arg10[%mul3A_117] : memref<409600xf32, #tpu.memory_space<vmem_shared>> -> memref<640xf32, #tpu.memory_space<vmem_shared>>
      tpu.wait_dma2 semaphore(%arg11 : memref<!tpu.dma_semaphore, #tpu.memory_space<semaphore_mem>>) src(%dma_wait3A_517 : memref<640xf32, #tpu.memory_space<vmem_shared>>) dst(%dma_wait3A_516 : memref<640xf32, #tpu.memory_space<hbm>>)
      %dma_wait3A_518 = arith.constant 0 : i32
      %dma_wait3A_519 = tpu.memref_slice %arg6[%add3A_129, %dma_wait3A_518] : memref<640x640xf32, #tpu.memory_space<hbm>> -> memref<1x640xf32, #tpu.memory_space<hbm>>
      %dma_wait3A_520 = tpu.memref_squeeze %dma_wait3A_519 : memref<1x640xf32, #tpu.memory_space<hbm>> -> memref<640xf32, #tpu.memory_space<hbm>>
      %dma_wait3A_521 = tpu.memref_slice %arg10[%mul3A_127] : memref<409600xf32, #tpu.memory_space<vmem_shared>> -> memref<640xf32, #tpu.memory_space<vmem_shared>>
      tpu.wait_dma2 semaphore(%arg11 : memref<!tpu.dma_semaphore, #tpu.memory_space<semaphore_mem>>) src(%dma_wait3A_521 : memref<640xf32, #tpu.memory_space<vmem_shared>>) dst(%dma_wait3A_520 : memref<640xf32, #tpu.memory_space<hbm>>)
      %dma_wait3A_522 = arith.constant 0 : i32
      %dma_wait3A_523 = tpu.memref_slice %arg6[%add3A_139, %dma_wait3A_522] : memref<640x640xf32, #tpu.memory_space<hbm>> -> memref<1x640xf32, #tpu.memory_space<hbm>>
      %dma_wait3A_524 = tpu.memref_squeeze %dma_wait3A_523 : memref<1x640xf32, #tpu.memory_space<hbm>> -> memref<640xf32, #tpu.memory_space<hbm>>
      %dma_wait3A_525 = tpu.memref_slice %arg10[%mul3A_137] : memref<409600xf32, #tpu.memory_space<vmem_shared>> -> memref<640xf32, #tpu.memory_space<vmem_shared>>
      tpu.wait_dma2 semaphore(%arg11 : memref<!tpu.dma_semaphore, #tpu.memory_space<semaphore_mem>>) src(%dma_wait3A_525 : memref<640xf32, #tpu.memory_space<vmem_shared>>) dst(%dma_wait3A_524 : memref<640xf32, #tpu.memory_space<hbm>>)
      %dma_wait3A_526 = arith.constant 0 : i32
      %dma_wait3A_527 = tpu.memref_slice %arg6[%add3A_149, %dma_wait3A_526] : memref<640x640xf32, #tpu.memory_space<hbm>> -> memref<1x640xf32, #tpu.memory_space<hbm>>
      %dma_wait3A_528 = tpu.memref_squeeze %dma_wait3A_527 : memref<1x640xf32, #tpu.memory_space<hbm>> -> memref<640xf32, #tpu.memory_space<hbm>>
      %dma_wait3A_529 = tpu.memref_slice %arg10[%mul3A_147] : memref<409600xf32, #tpu.memory_space<vmem_shared>> -> memref<640xf32, #tpu.memory_space<vmem_shared>>
      tpu.wait_dma2 semaphore(%arg11 : memref<!tpu.dma_semaphore, #tpu.memory_space<semaphore_mem>>) src(%dma_wait3A_529 : memref<640xf32, #tpu.memory_space<vmem_shared>>) dst(%dma_wait3A_528 : memref<640xf32, #tpu.memory_space<hbm>>)
      %dma_wait3A_530 = arith.constant 0 : i32
      %dma_wait3A_531 = tpu.memref_slice %arg6[%add3A_159, %dma_wait3A_530] : memref<640x640xf32, #tpu.memory_space<hbm>> -> memref<1x640xf32, #tpu.memory_space<hbm>>
      %dma_wait3A_532 = tpu.memref_squeeze %dma_wait3A_531 : memref<1x640xf32, #tpu.memory_space<hbm>> -> memref<640xf32, #tpu.memory_space<hbm>>
      %dma_wait3A_533 = tpu.memref_slice %arg10[%mul3A_157] : memref<409600xf32, #tpu.memory_space<vmem_shared>> -> memref<640xf32, #tpu.memory_space<vmem_shared>>
      tpu.wait_dma2 semaphore(%arg11 : memref<!tpu.dma_semaphore, #tpu.memory_space<semaphore_mem>>) src(%dma_wait3A_533 : memref<640xf32, #tpu.memory_space<vmem_shared>>) dst(%dma_wait3A_532 : memref<640xf32, #tpu.memory_space<hbm>>)
      %dma_wait3A_534 = arith.constant 0 : i32
      %dma_wait3A_535 = tpu.memref_slice %arg6[%add3A_169, %dma_wait3A_534] : memref<640x640xf32, #tpu.memory_space<hbm>> -> memref<1x640xf32, #tpu.memory_space<hbm>>
      %dma_wait3A_536 = tpu.memref_squeeze %dma_wait3A_535 : memref<1x640xf32, #tpu.memory_space<hbm>> -> memref<640xf32, #tpu.memory_space<hbm>>
      %dma_wait3A_537 = tpu.memref_slice %arg10[%mul3A_167] : memref<409600xf32, #tpu.memory_space<vmem_shared>> -> memref<640xf32, #tpu.memory_space<vmem_shared>>
      tpu.wait_dma2 semaphore(%arg11 : memref<!tpu.dma_semaphore, #tpu.memory_space<semaphore_mem>>) src(%dma_wait3A_537 : memref<640xf32, #tpu.memory_space<vmem_shared>>) dst(%dma_wait3A_536 : memref<640xf32, #tpu.memory_space<hbm>>)
      %dma_wait3A_538 = arith.constant 0 : i32
      %dma_wait3A_539 = tpu.memref_slice %arg6[%add3A_179, %dma_wait3A_538] : memref<640x640xf32, #tpu.memory_space<hbm>> -> memref<1x640xf32, #tpu.memory_space<hbm>>
      %dma_wait3A_540 = tpu.memref_squeeze %dma_wait3A_539 : memref<1x640xf32, #tpu.memory_space<hbm>> -> memref<640xf32, #tpu.memory_space<hbm>>
      %dma_wait3A_541 = tpu.memref_slice %arg10[%mul3A_177] : memref<409600xf32, #tpu.memory_space<vmem_shared>> -> memref<640xf32, #tpu.memory_space<vmem_shared>>
      tpu.wait_dma2 semaphore(%arg11 : memref<!tpu.dma_semaphore, #tpu.memory_space<semaphore_mem>>) src(%dma_wait3A_541 : memref<640xf32, #tpu.memory_space<vmem_shared>>) dst(%dma_wait3A_540 : memref<640xf32, #tpu.memory_space<hbm>>)
      %dma_wait3A_542 = arith.constant 0 : i32
      %dma_wait3A_543 = tpu.memref_slice %arg6[%add3A_189, %dma_wait3A_542] : memref<640x640xf32, #tpu.memory_space<hbm>> -> memref<1x640xf32, #tpu.memory_space<hbm>>
      %dma_wait3A_544 = tpu.memref_squeeze %dma_wait3A_543 : memref<1x640xf32, #tpu.memory_space<hbm>> -> memref<640xf32, #tpu.memory_space<hbm>>
      %dma_wait3A_545 = tpu.memref_slice %arg10[%mul3A_187] : memref<409600xf32, #tpu.memory_space<vmem_shared>> -> memref<640xf32, #tpu.memory_space<vmem_shared>>
      tpu.wait_dma2 semaphore(%arg11 : memref<!tpu.dma_semaphore, #tpu.memory_space<semaphore_mem>>) src(%dma_wait3A_545 : memref<640xf32, #tpu.memory_space<vmem_shared>>) dst(%dma_wait3A_544 : memref<640xf32, #tpu.memory_space<hbm>>)
      %dma_wait3A_546 = arith.constant 0 : i32
      %dma_wait3A_547 = tpu.memref_slice %arg6[%add3A_199, %dma_wait3A_546] : memref<640x640xf32, #tpu.memory_space<hbm>> -> memref<1x640xf32, #tpu.memory_space<hbm>>
      %dma_wait3A_548 = tpu.memref_squeeze %dma_wait3A_547 : memref<1x640xf32, #tpu.memory_space<hbm>> -> memref<640xf32, #tpu.memory_space<hbm>>
      %dma_wait3A_549 = tpu.memref_slice %arg10[%mul3A_197] : memref<409600xf32, #tpu.memory_space<vmem_shared>> -> memref<640xf32, #tpu.memory_space<vmem_shared>>
      tpu.wait_dma2 semaphore(%arg11 : memref<!tpu.dma_semaphore, #tpu.memory_space<semaphore_mem>>) src(%dma_wait3A_549 : memref<640xf32, #tpu.memory_space<vmem_shared>>) dst(%dma_wait3A_548 : memref<640xf32, #tpu.memory_space<hbm>>)
      %dma_wait3A_550 = arith.constant 0 : i32
      %dma_wait3A_551 = tpu.memref_slice %arg6[%add3A_209, %dma_wait3A_550] : memref<640x640xf32, #tpu.memory_space<hbm>> -> memref<1x640xf32, #tpu.memory_space<hbm>>
      %dma_wait3A_552 = tpu.memref_squeeze %dma_wait3A_551 : memref<1x640xf32, #tpu.memory_space<hbm>> -> memref<640xf32, #tpu.memory_space<hbm>>
      %dma_wait3A_553 = tpu.memref_slice %arg10[%mul3A_207] : memref<409600xf32, #tpu.memory_space<vmem_shared>> -> memref<640xf32, #tpu.memory_space<vmem_shared>>
      tpu.wait_dma2 semaphore(%arg11 : memref<!tpu.dma_semaphore, #tpu.memory_space<semaphore_mem>>) src(%dma_wait3A_553 : memref<640xf32, #tpu.memory_space<vmem_shared>>) dst(%dma_wait3A_552 : memref<640xf32, #tpu.memory_space<hbm>>)
      %dma_wait3A_554 = arith.constant 0 : i32
      %dma_wait3A_555 = tpu.memref_slice %arg6[%add3A_219, %dma_wait3A_554] : memref<640x640xf32, #tpu.memory_space<hbm>> -> memref<1x640xf32, #tpu.memory_space<hbm>>
      %dma_wait3A_556 = tpu.memref_squeeze %dma_wait3A_555 : memref<1x640xf32, #tpu.memory_space<hbm>> -> memref<640xf32, #tpu.memory_space<hbm>>
      %dma_wait3A_557 = tpu.memref_slice %arg10[%mul3A_217] : memref<409600xf32, #tpu.memory_space<vmem_shared>> -> memref<640xf32, #tpu.memory_space<vmem_shared>>
      tpu.wait_dma2 semaphore(%arg11 : memref<!tpu.dma_semaphore, #tpu.memory_space<semaphore_mem>>) src(%dma_wait3A_557 : memref<640xf32, #tpu.memory_space<vmem_shared>>) dst(%dma_wait3A_556 : memref<640xf32, #tpu.memory_space<hbm>>)
      %dma_wait3A_558 = arith.constant 0 : i32
      %dma_wait3A_559 = tpu.memref_slice %arg6[%add3A_229, %dma_wait3A_558] : memref<640x640xf32, #tpu.memory_space<hbm>> -> memref<1x640xf32, #tpu.memory_space<hbm>>
      %dma_wait3A_560 = tpu.memref_squeeze %dma_wait3A_559 : memref<1x640xf32, #tpu.memory_space<hbm>> -> memref<640xf32, #tpu.memory_space<hbm>>
      %dma_wait3A_561 = tpu.memref_slice %arg10[%mul3A_227] : memref<409600xf32, #tpu.memory_space<vmem_shared>> -> memref<640xf32, #tpu.memory_space<vmem_shared>>
      tpu.wait_dma2 semaphore(%arg11 : memref<!tpu.dma_semaphore, #tpu.memory_space<semaphore_mem>>) src(%dma_wait3A_561 : memref<640xf32, #tpu.memory_space<vmem_shared>>) dst(%dma_wait3A_560 : memref<640xf32, #tpu.memory_space<hbm>>)
      %dma_wait3A_562 = arith.constant 0 : i32
      %dma_wait3A_563 = tpu.memref_slice %arg6[%add3A_239, %dma_wait3A_562] : memref<640x640xf32, #tpu.memory_space<hbm>> -> memref<1x640xf32, #tpu.memory_space<hbm>>
      %dma_wait3A_564 = tpu.memref_squeeze %dma_wait3A_563 : memref<1x640xf32, #tpu.memory_space<hbm>> -> memref<640xf32, #tpu.memory_space<hbm>>
      %dma_wait3A_565 = tpu.memref_slice %arg10[%mul3A_237] : memref<409600xf32, #tpu.memory_space<vmem_shared>> -> memref<640xf32, #tpu.memory_space<vmem_shared>>
      tpu.wait_dma2 semaphore(%arg11 : memref<!tpu.dma_semaphore, #tpu.memory_space<semaphore_mem>>) src(%dma_wait3A_565 : memref<640xf32, #tpu.memory_space<vmem_shared>>) dst(%dma_wait3A_564 : memref<640xf32, #tpu.memory_space<hbm>>)
      %dma_wait3A_566 = arith.constant 0 : i32
      %dma_wait3A_567 = tpu.memref_slice %arg6[%add3A_249, %dma_wait3A_566] : memref<640x640xf32, #tpu.memory_space<hbm>> -> memref<1x640xf32, #tpu.memory_space<hbm>>
      %dma_wait3A_568 = tpu.memref_squeeze %dma_wait3A_567 : memref<1x640xf32, #tpu.memory_space<hbm>> -> memref<640xf32, #tpu.memory_space<hbm>>
      %dma_wait3A_569 = tpu.memref_slice %arg10[%mul3A_247] : memref<409600xf32, #tpu.memory_space<vmem_shared>> -> memref<640xf32, #tpu.memory_space<vmem_shared>>
      tpu.wait_dma2 semaphore(%arg11 : memref<!tpu.dma_semaphore, #tpu.memory_space<semaphore_mem>>) src(%dma_wait3A_569 : memref<640xf32, #tpu.memory_space<vmem_shared>>) dst(%dma_wait3A_568 : memref<640xf32, #tpu.memory_space<hbm>>)
      %dma_wait3A_570 = arith.constant 0 : i32
      %dma_wait3A_571 = tpu.memref_slice %arg6[%add3A_259, %dma_wait3A_570] : memref<640x640xf32, #tpu.memory_space<hbm>> -> memref<1x640xf32, #tpu.memory_space<hbm>>
      %dma_wait3A_572 = tpu.memref_squeeze %dma_wait3A_571 : memref<1x640xf32, #tpu.memory_space<hbm>> -> memref<640xf32, #tpu.memory_space<hbm>>
      %dma_wait3A_573 = tpu.memref_slice %arg10[%mul3A_257] : memref<409600xf32, #tpu.memory_space<vmem_shared>> -> memref<640xf32, #tpu.memory_space<vmem_shared>>
      tpu.wait_dma2 semaphore(%arg11 : memref<!tpu.dma_semaphore, #tpu.memory_space<semaphore_mem>>) src(%dma_wait3A_573 : memref<640xf32, #tpu.memory_space<vmem_shared>>) dst(%dma_wait3A_572 : memref<640xf32, #tpu.memory_space<hbm>>)
      %dma_wait3A_574 = arith.constant 0 : i32
      %dma_wait3A_575 = tpu.memref_slice %arg6[%add3A_269, %dma_wait3A_574] : memref<640x640xf32, #tpu.memory_space<hbm>> -> memref<1x640xf32, #tpu.memory_space<hbm>>
      %dma_wait3A_576 = tpu.memref_squeeze %dma_wait3A_575 : memref<1x640xf32, #tpu.memory_space<hbm>> -> memref<640xf32, #tpu.memory_space<hbm>>
      %dma_wait3A_577 = tpu.memref_slice %arg10[%mul3A_267] : memref<409600xf32, #tpu.memory_space<vmem_shared>> -> memref<640xf32, #tpu.memory_space<vmem_shared>>
      tpu.wait_dma2 semaphore(%arg11 : memref<!tpu.dma_semaphore, #tpu.memory_space<semaphore_mem>>) src(%dma_wait3A_577 : memref<640xf32, #tpu.memory_space<vmem_shared>>) dst(%dma_wait3A_576 : memref<640xf32, #tpu.memory_space<hbm>>)
      %dma_wait3A_578 = arith.constant 0 : i32
      %dma_wait3A_579 = tpu.memref_slice %arg6[%add3A_279, %dma_wait3A_578] : memref<640x640xf32, #tpu.memory_space<hbm>> -> memref<1x640xf32, #tpu.memory_space<hbm>>
      %dma_wait3A_580 = tpu.memref_squeeze %dma_wait3A_579 : memref<1x640xf32, #tpu.memory_space<hbm>> -> memref<640xf32, #tpu.memory_space<hbm>>
      %dma_wait3A_581 = tpu.memref_slice %arg10[%mul3A_277] : memref<409600xf32, #tpu.memory_space<vmem_shared>> -> memref<640xf32, #tpu.memory_space<vmem_shared>>
      tpu.wait_dma2 semaphore(%arg11 : memref<!tpu.dma_semaphore, #tpu.memory_space<semaphore_mem>>) src(%dma_wait3A_581 : memref<640xf32, #tpu.memory_space<vmem_shared>>) dst(%dma_wait3A_580 : memref<640xf32, #tpu.memory_space<hbm>>)
      %dma_wait3A_582 = arith.constant 0 : i32
      %dma_wait3A_583 = tpu.memref_slice %arg6[%add3A_289, %dma_wait3A_582] : memref<640x640xf32, #tpu.memory_space<hbm>> -> memref<1x640xf32, #tpu.memory_space<hbm>>
      %dma_wait3A_584 = tpu.memref_squeeze %dma_wait3A_583 : memref<1x640xf32, #tpu.memory_space<hbm>> -> memref<640xf32, #tpu.memory_space<hbm>>
      %dma_wait3A_585 = tpu.memref_slice %arg10[%mul3A_287] : memref<409600xf32, #tpu.memory_space<vmem_shared>> -> memref<640xf32, #tpu.memory_space<vmem_shared>>
      tpu.wait_dma2 semaphore(%arg11 : memref<!tpu.dma_semaphore, #tpu.memory_space<semaphore_mem>>) src(%dma_wait3A_585 : memref<640xf32, #tpu.memory_space<vmem_shared>>) dst(%dma_wait3A_584 : memref<640xf32, #tpu.memory_space<hbm>>)
      %dma_wait3A_586 = arith.constant 0 : i32
      %dma_wait3A_587 = tpu.memref_slice %arg6[%add3A_299, %dma_wait3A_586] : memref<640x640xf32, #tpu.memory_space<hbm>> -> memref<1x640xf32, #tpu.memory_space<hbm>>
      %dma_wait3A_588 = tpu.memref_squeeze %dma_wait3A_587 : memref<1x640xf32, #tpu.memory_space<hbm>> -> memref<640xf32, #tpu.memory_space<hbm>>
      %dma_wait3A_589 = tpu.memref_slice %arg10[%mul3A_297] : memref<409600xf32, #tpu.memory_space<vmem_shared>> -> memref<640xf32, #tpu.memory_space<vmem_shared>>
      tpu.wait_dma2 semaphore(%arg11 : memref<!tpu.dma_semaphore, #tpu.memory_space<semaphore_mem>>) src(%dma_wait3A_589 : memref<640xf32, #tpu.memory_space<vmem_shared>>) dst(%dma_wait3A_588 : memref<640xf32, #tpu.memory_space<hbm>>)
      %dma_wait3A_590 = arith.constant 0 : i32
      %dma_wait3A_591 = tpu.memref_slice %arg6[%add3A_309, %dma_wait3A_590] : memref<640x640xf32, #tpu.memory_space<hbm>> -> memref<1x640xf32, #tpu.memory_space<hbm>>
      %dma_wait3A_592 = tpu.memref_squeeze %dma_wait3A_591 : memref<1x640xf32, #tpu.memory_space<hbm>> -> memref<640xf32, #tpu.memory_space<hbm>>
      %dma_wait3A_593 = tpu.memref_slice %arg10[%mul3A_307] : memref<409600xf32, #tpu.memory_space<vmem_shared>> -> memref<640xf32, #tpu.memory_space<vmem_shared>>
      tpu.wait_dma2 semaphore(%arg11 : memref<!tpu.dma_semaphore, #tpu.memory_space<semaphore_mem>>) src(%dma_wait3A_593 : memref<640xf32, #tpu.memory_space<vmem_shared>>) dst(%dma_wait3A_592 : memref<640xf32, #tpu.memory_space<hbm>>)
      %dma_wait3A_594 = arith.constant 0 : i32
      %dma_wait3A_595 = tpu.memref_slice %arg6[%add3A_319, %dma_wait3A_594] : memref<640x640xf32, #tpu.memory_space<hbm>> -> memref<1x640xf32, #tpu.memory_space<hbm>>
      %dma_wait3A_596 = tpu.memref_squeeze %dma_wait3A_595 : memref<1x640xf32, #tpu.memory_space<hbm>> -> memref<640xf32, #tpu.memory_space<hbm>>
      %dma_wait3A_597 = tpu.memref_slice %arg10[%mul3A_317] : memref<409600xf32, #tpu.memory_space<vmem_shared>> -> memref<640xf32, #tpu.memory_space<vmem_shared>>
      tpu.wait_dma2 semaphore(%arg11 : memref<!tpu.dma_semaphore, #tpu.memory_space<semaphore_mem>>) src(%dma_wait3A_597 : memref<640xf32, #tpu.memory_space<vmem_shared>>) dst(%dma_wait3A_596 : memref<640xf32, #tpu.memory_space<hbm>>)
      %dma_wait3A_598 = arith.constant 0 : i32
      %dma_wait3A_599 = tpu.memref_slice %arg6[%add3A_329, %dma_wait3A_598] : memref<640x640xf32, #tpu.memory_space<hbm>> -> memref<1x640xf32, #tpu.memory_space<hbm>>
      %dma_wait3A_600 = tpu.memref_squeeze %dma_wait3A_599 : memref<1x640xf32, #tpu.memory_space<hbm>> -> memref<640xf32, #tpu.memory_space<hbm>>
      %dma_wait3A_601 = tpu.memref_slice %arg10[%mul3A_327] : memref<409600xf32, #tpu.memory_space<vmem_shared>> -> memref<640xf32, #tpu.memory_space<vmem_shared>>
      tpu.wait_dma2 semaphore(%arg11 : memref<!tpu.dma_semaphore, #tpu.memory_space<semaphore_mem>>) src(%dma_wait3A_601 : memref<640xf32, #tpu.memory_space<vmem_shared>>) dst(%dma_wait3A_600 : memref<640xf32, #tpu.memory_space<hbm>>)
      %dma_wait3A_602 = arith.constant 0 : i32
      %dma_wait3A_603 = tpu.memref_slice %arg6[%add3A_339, %dma_wait3A_602] : memref<640x640xf32, #tpu.memory_space<hbm>> -> memref<1x640xf32, #tpu.memory_space<hbm>>
      %dma_wait3A_604 = tpu.memref_squeeze %dma_wait3A_603 : memref<1x640xf32, #tpu.memory_space<hbm>> -> memref<640xf32, #tpu.memory_space<hbm>>
      %dma_wait3A_605 = tpu.memref_slice %arg10[%mul3A_337] : memref<409600xf32, #tpu.memory_space<vmem_shared>> -> memref<640xf32, #tpu.memory_space<vmem_shared>>
      tpu.wait_dma2 semaphore(%arg11 : memref<!tpu.dma_semaphore, #tpu.memory_space<semaphore_mem>>) src(%dma_wait3A_605 : memref<640xf32, #tpu.memory_space<vmem_shared>>) dst(%dma_wait3A_604 : memref<640xf32, #tpu.memory_space<hbm>>)
      %dma_wait3A_606 = arith.constant 0 : i32
      %dma_wait3A_607 = tpu.memref_slice %arg6[%add3A_349, %dma_wait3A_606] : memref<640x640xf32, #tpu.memory_space<hbm>> -> memref<1x640xf32, #tpu.memory_space<hbm>>
      %dma_wait3A_608 = tpu.memref_squeeze %dma_wait3A_607 : memref<1x640xf32, #tpu.memory_space<hbm>> -> memref<640xf32, #tpu.memory_space<hbm>>
      %dma_wait3A_609 = tpu.memref_slice %arg10[%mul3A_347] : memref<409600xf32, #tpu.memory_space<vmem_shared>> -> memref<640xf32, #tpu.memory_space<vmem_shared>>
      tpu.wait_dma2 semaphore(%arg11 : memref<!tpu.dma_semaphore, #tpu.memory_space<semaphore_mem>>) src(%dma_wait3A_609 : memref<640xf32, #tpu.memory_space<vmem_shared>>) dst(%dma_wait3A_608 : memref<640xf32, #tpu.memory_space<hbm>>)
      %dma_wait3A_610 = arith.constant 0 : i32
      %dma_wait3A_611 = tpu.memref_slice %arg6[%add3A_359, %dma_wait3A_610] : memref<640x640xf32, #tpu.memory_space<hbm>> -> memref<1x640xf32, #tpu.memory_space<hbm>>
      %dma_wait3A_612 = tpu.memref_squeeze %dma_wait3A_611 : memref<1x640xf32, #tpu.memory_space<hbm>> -> memref<640xf32, #tpu.memory_space<hbm>>
      %dma_wait3A_613 = tpu.memref_slice %arg10[%mul3A_357] : memref<409600xf32, #tpu.memory_space<vmem_shared>> -> memref<640xf32, #tpu.memory_space<vmem_shared>>
      tpu.wait_dma2 semaphore(%arg11 : memref<!tpu.dma_semaphore, #tpu.memory_space<semaphore_mem>>) src(%dma_wait3A_613 : memref<640xf32, #tpu.memory_space<vmem_shared>>) dst(%dma_wait3A_612 : memref<640xf32, #tpu.memory_space<hbm>>)
      %dma_wait3A_614 = arith.constant 0 : i32
      %dma_wait3A_615 = tpu.memref_slice %arg6[%add3A_369, %dma_wait3A_614] : memref<640x640xf32, #tpu.memory_space<hbm>> -> memref<1x640xf32, #tpu.memory_space<hbm>>
      %dma_wait3A_616 = tpu.memref_squeeze %dma_wait3A_615 : memref<1x640xf32, #tpu.memory_space<hbm>> -> memref<640xf32, #tpu.memory_space<hbm>>
      %dma_wait3A_617 = tpu.memref_slice %arg10[%mul3A_367] : memref<409600xf32, #tpu.memory_space<vmem_shared>> -> memref<640xf32, #tpu.memory_space<vmem_shared>>
      tpu.wait_dma2 semaphore(%arg11 : memref<!tpu.dma_semaphore, #tpu.memory_space<semaphore_mem>>) src(%dma_wait3A_617 : memref<640xf32, #tpu.memory_space<vmem_shared>>) dst(%dma_wait3A_616 : memref<640xf32, #tpu.memory_space<hbm>>)
      %dma_wait3A_618 = arith.constant 0 : i32
      %dma_wait3A_619 = tpu.memref_slice %arg6[%add3A_379, %dma_wait3A_618] : memref<640x640xf32, #tpu.memory_space<hbm>> -> memref<1x640xf32, #tpu.memory_space<hbm>>
      %dma_wait3A_620 = tpu.memref_squeeze %dma_wait3A_619 : memref<1x640xf32, #tpu.memory_space<hbm>> -> memref<640xf32, #tpu.memory_space<hbm>>
      %dma_wait3A_621 = tpu.memref_slice %arg10[%mul3A_377] : memref<409600xf32, #tpu.memory_space<vmem_shared>> -> memref<640xf32, #tpu.memory_space<vmem_shared>>
      tpu.wait_dma2 semaphore(%arg11 : memref<!tpu.dma_semaphore, #tpu.memory_space<semaphore_mem>>) src(%dma_wait3A_621 : memref<640xf32, #tpu.memory_space<vmem_shared>>) dst(%dma_wait3A_620 : memref<640xf32, #tpu.memory_space<hbm>>)
      %dma_wait3A_622 = arith.constant 0 : i32
      %dma_wait3A_623 = tpu.memref_slice %arg6[%add3A_389, %dma_wait3A_622] : memref<640x640xf32, #tpu.memory_space<hbm>> -> memref<1x640xf32, #tpu.memory_space<hbm>>
      %dma_wait3A_624 = tpu.memref_squeeze %dma_wait3A_623 : memref<1x640xf32, #tpu.memory_space<hbm>> -> memref<640xf32, #tpu.memory_space<hbm>>
      %dma_wait3A_625 = tpu.memref_slice %arg10[%mul3A_387] : memref<409600xf32, #tpu.memory_space<vmem_shared>> -> memref<640xf32, #tpu.memory_space<vmem_shared>>
      tpu.wait_dma2 semaphore(%arg11 : memref<!tpu.dma_semaphore, #tpu.memory_space<semaphore_mem>>) src(%dma_wait3A_625 : memref<640xf32, #tpu.memory_space<vmem_shared>>) dst(%dma_wait3A_624 : memref<640xf32, #tpu.memory_space<hbm>>)
      %dma_wait3A_626 = arith.constant 0 : i32
      %dma_wait3A_627 = tpu.memref_slice %arg6[%add3A_399, %dma_wait3A_626] : memref<640x640xf32, #tpu.memory_space<hbm>> -> memref<1x640xf32, #tpu.memory_space<hbm>>
      %dma_wait3A_628 = tpu.memref_squeeze %dma_wait3A_627 : memref<1x640xf32, #tpu.memory_space<hbm>> -> memref<640xf32, #tpu.memory_space<hbm>>
      %dma_wait3A_629 = tpu.memref_slice %arg10[%mul3A_397] : memref<409600xf32, #tpu.memory_space<vmem_shared>> -> memref<640xf32, #tpu.memory_space<vmem_shared>>
      tpu.wait_dma2 semaphore(%arg11 : memref<!tpu.dma_semaphore, #tpu.memory_space<semaphore_mem>>) src(%dma_wait3A_629 : memref<640xf32, #tpu.memory_space<vmem_shared>>) dst(%dma_wait3A_628 : memref<640xf32, #tpu.memory_space<hbm>>)
      %dma_wait3A_630 = arith.constant 0 : i32
      %dma_wait3A_631 = tpu.memref_slice %arg6[%add3A_409, %dma_wait3A_630] : memref<640x640xf32, #tpu.memory_space<hbm>> -> memref<1x640xf32, #tpu.memory_space<hbm>>
      %dma_wait3A_632 = tpu.memref_squeeze %dma_wait3A_631 : memref<1x640xf32, #tpu.memory_space<hbm>> -> memref<640xf32, #tpu.memory_space<hbm>>
      %dma_wait3A_633 = tpu.memref_slice %arg10[%mul3A_407] : memref<409600xf32, #tpu.memory_space<vmem_shared>> -> memref<640xf32, #tpu.memory_space<vmem_shared>>
      tpu.wait_dma2 semaphore(%arg11 : memref<!tpu.dma_semaphore, #tpu.memory_space<semaphore_mem>>) src(%dma_wait3A_633 : memref<640xf32, #tpu.memory_space<vmem_shared>>) dst(%dma_wait3A_632 : memref<640xf32, #tpu.memory_space<hbm>>)
      %dma_wait3A_634 = arith.constant 0 : i32
      %dma_wait3A_635 = tpu.memref_slice %arg6[%add3A_419, %dma_wait3A_634] : memref<640x640xf32, #tpu.memory_space<hbm>> -> memref<1x640xf32, #tpu.memory_space<hbm>>
      %dma_wait3A_636 = tpu.memref_squeeze %dma_wait3A_635 : memref<1x640xf32, #tpu.memory_space<hbm>> -> memref<640xf32, #tpu.memory_space<hbm>>
      %dma_wait3A_637 = tpu.memref_slice %arg10[%mul3A_417] : memref<409600xf32, #tpu.memory_space<vmem_shared>> -> memref<640xf32, #tpu.memory_space<vmem_shared>>
      tpu.wait_dma2 semaphore(%arg11 : memref<!tpu.dma_semaphore, #tpu.memory_space<semaphore_mem>>) src(%dma_wait3A_637 : memref<640xf32, #tpu.memory_space<vmem_shared>>) dst(%dma_wait3A_636 : memref<640xf32, #tpu.memory_space<hbm>>)
      %dma_wait3A_638 = arith.constant 0 : i32
      %dma_wait3A_639 = tpu.memref_slice %arg6[%add3A_429, %dma_wait3A_638] : memref<640x640xf32, #tpu.memory_space<hbm>> -> memref<1x640xf32, #tpu.memory_space<hbm>>
      %dma_wait3A_640 = tpu.memref_squeeze %dma_wait3A_639 : memref<1x640xf32, #tpu.memory_space<hbm>> -> memref<640xf32, #tpu.memory_space<hbm>>
      %dma_wait3A_641 = tpu.memref_slice %arg10[%mul3A_427] : memref<409600xf32, #tpu.memory_space<vmem_shared>> -> memref<640xf32, #tpu.memory_space<vmem_shared>>
      tpu.wait_dma2 semaphore(%arg11 : memref<!tpu.dma_semaphore, #tpu.memory_space<semaphore_mem>>) src(%dma_wait3A_641 : memref<640xf32, #tpu.memory_space<vmem_shared>>) dst(%dma_wait3A_640 : memref<640xf32, #tpu.memory_space<hbm>>)
      %dma_wait3A_642 = arith.constant 0 : i32
      %dma_wait3A_643 = tpu.memref_slice %arg6[%add3A_439, %dma_wait3A_642] : memref<640x640xf32, #tpu.memory_space<hbm>> -> memref<1x640xf32, #tpu.memory_space<hbm>>
      %dma_wait3A_644 = tpu.memref_squeeze %dma_wait3A_643 : memref<1x640xf32, #tpu.memory_space<hbm>> -> memref<640xf32, #tpu.memory_space<hbm>>
      %dma_wait3A_645 = tpu.memref_slice %arg10[%mul3A_437] : memref<409600xf32, #tpu.memory_space<vmem_shared>> -> memref<640xf32, #tpu.memory_space<vmem_shared>>
      tpu.wait_dma2 semaphore(%arg11 : memref<!tpu.dma_semaphore, #tpu.memory_space<semaphore_mem>>) src(%dma_wait3A_645 : memref<640xf32, #tpu.memory_space<vmem_shared>>) dst(%dma_wait3A_644 : memref<640xf32, #tpu.memory_space<hbm>>)
      %dma_wait3A_646 = arith.constant 0 : i32
      %dma_wait3A_647 = tpu.memref_slice %arg6[%add3A_449, %dma_wait3A_646] : memref<640x640xf32, #tpu.memory_space<hbm>> -> memref<1x640xf32, #tpu.memory_space<hbm>>
      %dma_wait3A_648 = tpu.memref_squeeze %dma_wait3A_647 : memref<1x640xf32, #tpu.memory_space<hbm>> -> memref<640xf32, #tpu.memory_space<hbm>>
      %dma_wait3A_649 = tpu.memref_slice %arg10[%mul3A_447] : memref<409600xf32, #tpu.memory_space<vmem_shared>> -> memref<640xf32, #tpu.memory_space<vmem_shared>>
      tpu.wait_dma2 semaphore(%arg11 : memref<!tpu.dma_semaphore, #tpu.memory_space<semaphore_mem>>) src(%dma_wait3A_649 : memref<640xf32, #tpu.memory_space<vmem_shared>>) dst(%dma_wait3A_648 : memref<640xf32, #tpu.memory_space<hbm>>)
      %dma_wait3A_650 = arith.constant 0 : i32
      %dma_wait3A_651 = tpu.memref_slice %arg6[%add3A_459, %dma_wait3A_650] : memref<640x640xf32, #tpu.memory_space<hbm>> -> memref<1x640xf32, #tpu.memory_space<hbm>>
      %dma_wait3A_652 = tpu.memref_squeeze %dma_wait3A_651 : memref<1x640xf32, #tpu.memory_space<hbm>> -> memref<640xf32, #tpu.memory_space<hbm>>
      %dma_wait3A_653 = tpu.memref_slice %arg10[%mul3A_457] : memref<409600xf32, #tpu.memory_space<vmem_shared>> -> memref<640xf32, #tpu.memory_space<vmem_shared>>
      tpu.wait_dma2 semaphore(%arg11 : memref<!tpu.dma_semaphore, #tpu.memory_space<semaphore_mem>>) src(%dma_wait3A_653 : memref<640xf32, #tpu.memory_space<vmem_shared>>) dst(%dma_wait3A_652 : memref<640xf32, #tpu.memory_space<hbm>>)
      %dma_wait3A_654 = arith.constant 0 : i32
      %dma_wait3A_655 = tpu.memref_slice %arg6[%add3A_469, %dma_wait3A_654] : memref<640x640xf32, #tpu.memory_space<hbm>> -> memref<1x640xf32, #tpu.memory_space<hbm>>
      %dma_wait3A_656 = tpu.memref_squeeze %dma_wait3A_655 : memref<1x640xf32, #tpu.memory_space<hbm>> -> memref<640xf32, #tpu.memory_space<hbm>>
      %dma_wait3A_657 = tpu.memref_slice %arg10[%mul3A_467] : memref<409600xf32, #tpu.memory_space<vmem_shared>> -> memref<640xf32, #tpu.memory_space<vmem_shared>>
      tpu.wait_dma2 semaphore(%arg11 : memref<!tpu.dma_semaphore, #tpu.memory_space<semaphore_mem>>) src(%dma_wait3A_657 : memref<640xf32, #tpu.memory_space<vmem_shared>>) dst(%dma_wait3A_656 : memref<640xf32, #tpu.memory_space<hbm>>)
      %dma_wait3A_658 = arith.constant 0 : i32
      %dma_wait3A_659 = tpu.memref_slice %arg6[%add3A_479, %dma_wait3A_658] : memref<640x640xf32, #tpu.memory_space<hbm>> -> memref<1x640xf32, #tpu.memory_space<hbm>>
      %dma_wait3A_660 = tpu.memref_squeeze %dma_wait3A_659 : memref<1x640xf32, #tpu.memory_space<hbm>> -> memref<640xf32, #tpu.memory_space<hbm>>
      %dma_wait3A_661 = tpu.memref_slice %arg10[%mul3A_477] : memref<409600xf32, #tpu.memory_space<vmem_shared>> -> memref<640xf32, #tpu.memory_space<vmem_shared>>
      tpu.wait_dma2 semaphore(%arg11 : memref<!tpu.dma_semaphore, #tpu.memory_space<semaphore_mem>>) src(%dma_wait3A_661 : memref<640xf32, #tpu.memory_space<vmem_shared>>) dst(%dma_wait3A_660 : memref<640xf32, #tpu.memory_space<hbm>>)
      %dma_wait3A_662 = arith.constant 0 : i32
      %dma_wait3A_663 = tpu.memref_slice %arg6[%add3A_489, %dma_wait3A_662] : memref<640x640xf32, #tpu.memory_space<hbm>> -> memref<1x640xf32, #tpu.memory_space<hbm>>
      %dma_wait3A_664 = tpu.memref_squeeze %dma_wait3A_663 : memref<1x640xf32, #tpu.memory_space<hbm>> -> memref<640xf32, #tpu.memory_space<hbm>>
      %dma_wait3A_665 = tpu.memref_slice %arg10[%mul3A_487] : memref<409600xf32, #tpu.memory_space<vmem_shared>> -> memref<640xf32, #tpu.memory_space<vmem_shared>>
      tpu.wait_dma2 semaphore(%arg11 : memref<!tpu.dma_semaphore, #tpu.memory_space<semaphore_mem>>) src(%dma_wait3A_665 : memref<640xf32, #tpu.memory_space<vmem_shared>>) dst(%dma_wait3A_664 : memref<640xf32, #tpu.memory_space<hbm>>)
      %dma_wait3A_666 = arith.constant 0 : i32
      %dma_wait3A_667 = tpu.memref_slice %arg6[%add3A_499, %dma_wait3A_666] : memref<640x640xf32, #tpu.memory_space<hbm>> -> memref<1x640xf32, #tpu.memory_space<hbm>>
      %dma_wait3A_668 = tpu.memref_squeeze %dma_wait3A_667 : memref<1x640xf32, #tpu.memory_space<hbm>> -> memref<640xf32, #tpu.memory_space<hbm>>
      %dma_wait3A_669 = tpu.memref_slice %arg10[%mul3A_497] : memref<409600xf32, #tpu.memory_space<vmem_shared>> -> memref<640xf32, #tpu.memory_space<vmem_shared>>
      tpu.wait_dma2 semaphore(%arg11 : memref<!tpu.dma_semaphore, #tpu.memory_space<semaphore_mem>>) src(%dma_wait3A_669 : memref<640xf32, #tpu.memory_space<vmem_shared>>) dst(%dma_wait3A_668 : memref<640xf32, #tpu.memory_space<hbm>>)
      %dma_wait3A_670 = arith.constant 0 : i32
      %dma_wait3A_671 = tpu.memref_slice %arg6[%add3A_509, %dma_wait3A_670] : memref<640x640xf32, #tpu.memory_space<hbm>> -> memref<1x640xf32, #tpu.memory_space<hbm>>
      %dma_wait3A_672 = tpu.memref_squeeze %dma_wait3A_671 : memref<1x640xf32, #tpu.memory_space<hbm>> -> memref<640xf32, #tpu.memory_space<hbm>>
      %dma_wait3A_673 = tpu.memref_slice %arg10[%mul3A_507] : memref<409600xf32, #tpu.memory_space<vmem_shared>> -> memref<640xf32, #tpu.memory_space<vmem_shared>>
      tpu.wait_dma2 semaphore(%arg11 : memref<!tpu.dma_semaphore, #tpu.memory_space<semaphore_mem>>) src(%dma_wait3A_673 : memref<640xf32, #tpu.memory_space<vmem_shared>>) dst(%dma_wait3A_672 : memref<640xf32, #tpu.memory_space<hbm>>)
    } else {
    }
    %eq3A_2 = arith.constant 1 : i32
    %eq3A_3 = arith.cmpi eq, %arg0, %eq3A_2 : i32
    %convert_element_type3A_4 = arith.extui %eq3A_3 : i1 to i32
    %cond3A_5 = arith.constant 0 : i32
    %cond3A_6 = arith.cmpi ne, %convert_element_type3A_4, %cond3A_5 : i32
    scf.if %cond3A_6 {
      %mul3A = arith.constant 8 : i32
      %mul3A_7 = arith.muli %arg1, %mul3A : i32
      %mul3A_8 = arith.constant 1024 : i32
      %mul3A_9 = arith.muli %arg1, %mul3A_8 : i32
      %dma_start3A = arith.constant 0 : i32
      %dma_start3A_10 = arith.constant 0 : i32
      %dma_start3A_11 = tpu.memref_slice %arg8[%dma_start3A, %dma_start3A_10] : memref<6x128xi32, #tpu.memory_space<vmem>> -> memref<1x128xi32, #tpu.memory_space<vmem>>
      %dma_start3A_12 = arith.constant 0 : i32
      %dma_start3A_13 = arith.constant 0 : i32
      %dma_start3A_14 = tpu.memref_slice %arg3[%arg1, %dma_start3A_12, %dma_start3A_13] : memref<16x1x128xi32, #tpu.memory_space<hbm>> -> memref<1x1x128xi32, #tpu.memory_space<hbm>>
      %dma_start3A_15 = tpu.memref_squeeze %dma_start3A_14 : memref<1x1x128xi32, #tpu.memory_space<hbm>> -> memref<1x128xi32, #tpu.memory_space<hbm>>
      %dma_start3A_16 = arith.constant 0 : i32
      %dma_start3A_17 = arith.constant 0 : i32
      %dma_start3A_18 = tpu.memref_slice %arg8[%dma_start3A_16, %dma_start3A_17] : memref<6x128xi32, #tpu.memory_space<vmem>> -> memref<1x128xi32, #tpu.memory_space<vmem>>
      %dma_start3A_19 = arith.constant 0 : i32
      %dma_start3A_20 = arith.constant 0 : i32
      %dma_start3A_21 = tpu.memref_slice %arg3[%arg1, %dma_start3A_19, %dma_start3A_20] : memref<16x1x128xi32, #tpu.memory_space<hbm>> -> memref<1x1x128xi32, #tpu.memory_space<hbm>>
      %dma_start3A_22 = tpu.memref_squeeze %dma_start3A_21 : memref<1x1x128xi32, #tpu.memory_space<hbm>> -> memref<1x128xi32, #tpu.memory_space<hbm>>
      tpu.enqueue_dma source(%dma_start3A_22 : memref<1x128xi32, #tpu.memory_space<hbm>>) target(%dma_start3A_18 : memref<1x128xi32, #tpu.memory_space<vmem>>) target_semaphore(%arg11 : memref<!tpu.dma_semaphore, #tpu.memory_space<semaphore_mem>>)
      %dma_start3A_23 = tpu.memref_slice %arg10[%mul3A_9] : memref<409600xf32, #tpu.memory_space<vmem_shared>> -> memref<1024xf32, #tpu.memory_space<vmem_shared>>
      %dma_start3A_24 = arith.constant 0 : i32
      %dma_start3A_25 = tpu.memref_slice %arg4[%dma_start3A_24] : memref<25600xf32, #tpu.memory_space<hbm>> -> memref<1024xf32, #tpu.memory_space<hbm>>
      tpu.enqueue_dma source(%dma_start3A_25 : memref<1024xf32, #tpu.memory_space<hbm>>) target(%dma_start3A_23 : memref<1024xf32, #tpu.memory_space<vmem_shared>>) target_semaphore(%arg11 : memref<!tpu.dma_semaphore, #tpu.memory_space<semaphore_mem>>)
      %dma_wait3A = arith.constant 0 : i32
      %dma_wait3A_26 = arith.constant 0 : i32
      %dma_wait3A_27 = tpu.memref_slice %arg8[%dma_wait3A, %dma_wait3A_26] : memref<6x128xi32, #tpu.memory_space<vmem>> -> memref<1x128xi32, #tpu.memory_space<vmem>>
      %dma_wait3A_28 = arith.constant 0 : i32
      %dma_wait3A_29 = arith.constant 0 : i32
      %dma_wait3A_30 = tpu.memref_slice %arg3[%arg1, %dma_wait3A_28, %dma_wait3A_29] : memref<16x1x128xi32, #tpu.memory_space<hbm>> -> memref<1x1x128xi32, #tpu.memory_space<hbm>>
      %dma_wait3A_31 = tpu.memref_squeeze %dma_wait3A_30 : memref<1x1x128xi32, #tpu.memory_space<hbm>> -> memref<1x128xi32, #tpu.memory_space<hbm>>
      %dma_wait3A_32 = arith.constant 0 : i32
      %dma_wait3A_33 = arith.constant 0 : i32
      %dma_wait3A_34 = tpu.memref_slice %arg8[%dma_wait3A_32, %dma_wait3A_33] : memref<6x128xi32, #tpu.memory_space<vmem>> -> memref<1x128xi32, #tpu.memory_space<vmem>>
      %dma_wait3A_35 = arith.constant 0 : i32
      %dma_wait3A_36 = arith.constant 0 : i32
      %dma_wait3A_37 = tpu.memref_slice %arg3[%arg1, %dma_wait3A_35, %dma_wait3A_36] : memref<16x1x128xi32, #tpu.memory_space<hbm>> -> memref<1x1x128xi32, #tpu.memory_space<hbm>>
      %dma_wait3A_38 = tpu.memref_squeeze %dma_wait3A_37 : memref<1x1x128xi32, #tpu.memory_space<hbm>> -> memref<1x128xi32, #tpu.memory_space<hbm>>
      tpu.wait_dma2 semaphore(%arg11 : memref<!tpu.dma_semaphore, #tpu.memory_space<semaphore_mem>>) src(%dma_wait3A_38 : memref<1x128xi32, #tpu.memory_space<hbm>>) dst(%dma_wait3A_34 : memref<1x128xi32, #tpu.memory_space<vmem>>)
      %dma_wait3A_39 = tpu.memref_slice %arg10[%mul3A_9] : memref<409600xf32, #tpu.memory_space<vmem_shared>> -> memref<1024xf32, #tpu.memory_space<vmem_shared>>
      %dma_wait3A_40 = arith.constant 0 : i32
      %dma_wait3A_41 = tpu.memref_slice %arg4[%dma_wait3A_40] : memref<25600xf32, #tpu.memory_space<hbm>> -> memref<1024xf32, #tpu.memory_space<hbm>>
      tpu.wait_dma2 semaphore(%arg11 : memref<!tpu.dma_semaphore, #tpu.memory_space<semaphore_mem>>) src(%dma_wait3A_41 : memref<1024xf32, #tpu.memory_space<hbm>>) dst(%dma_wait3A_39 : memref<1024xf32, #tpu.memory_space<vmem_shared>>)
      %barrier3A = arith.constant 0 : index
      tpu.barrier barrier_id(%barrier3A)
      %dma_start3A_42 = arith.constant 0 : i32
      %dma_start3A_43 = arith.constant 0 : i32
      %dma_start3A_44 = tpu.memref_slice %arg8[%dma_start3A_42, %dma_start3A_43] : memref<6x128xi32, #tpu.memory_space<vmem>> -> memref<1x128xi32, #tpu.memory_space<vmem>>
      %dma_start3A_45 = tpu.memref_squeeze %dma_start3A_44 : memref<1x128xi32, #tpu.memory_space<vmem>> -> memref<128xi32, #tpu.memory_space<vmem>>
      %dma_start3A_46 = arith.constant 0 : i32
      %dma_start3A_47 = tpu.memref_slice %arg10[%dma_start3A_46] : memref<409600xf32, #tpu.memory_space<vmem_shared>> -> memref<409600xf32, #tpu.memory_space<vmem_shared>>
      tpu.enqueue_indirect_dma source(%arg9 : memref<128xf32, #tpu.memory_space<vmem>>) target(%dma_start3A_47 : memref<409600xf32, #tpu.memory_space<vmem_shared>>) offsets(%dma_start3A_45 : memref<128xi32, #tpu.memory_space<vmem>>) semaphore(%arg11 : memref<!tpu.dma_semaphore, #tpu.memory_space<semaphore_mem>>) {add = true}
      %dma_wait3A_48 = arith.constant 0 : i32
      %dma_wait3A_49 = arith.constant 0 : i32
      %dma_wait3A_50 = tpu.memref_slice %arg8[%dma_wait3A_48, %dma_wait3A_49] : memref<6x128xi32, #tpu.memory_space<vmem>> -> memref<1x128xi32, #tpu.memory_space<vmem>>
      %dma_wait3A_51 = tpu.memref_squeeze %dma_wait3A_50 : memref<1x128xi32, #tpu.memory_space<vmem>> -> memref<128xi32, #tpu.memory_space<vmem>>
      %dma_wait3A_52 = arith.constant 0 : i32
      %dma_wait3A_53 = tpu.memref_slice %arg10[%dma_wait3A_52] : memref<409600xf32, #tpu.memory_space<vmem_shared>> -> memref<409600xf32, #tpu.memory_space<vmem_shared>>
      tpu.wait_indirect_dma semaphore(%arg11 : memref<!tpu.dma_semaphore, #tpu.memory_space<semaphore_mem>>) src(%arg9 : memref<128xf32, #tpu.memory_space<vmem>>) dst(%dma_wait3A_53 : memref<409600xf32, #tpu.memory_space<vmem_shared>>)
      %barrier3A_54 = arith.constant 0 : index
      tpu.barrier barrier_id(%barrier3A_54)
      %add3A = arith.constant 0 : i32
      %add3A_55 = arith.addi %mul3A_7, %add3A : i32
      %mul3A_56 = arith.constant 128 : i32
      %mul3A_57 = arith.muli %add3A_55, %mul3A_56 : i32
      %add3A_58 = arith.constant 0 : i32
      %add3A_59 = arith.addi %mul3A_7, %add3A_58 : i32
      %dma_start3A_60 = arith.constant 0 : i32
      %dma_start3A_61 = tpu.memref_slice %arg7[%add3A_59, %dma_start3A_60] : memref<128x128xf32, #tpu.memory_space<hbm>> -> memref<1x128xf32, #tpu.memory_space<hbm>>
      %dma_start3A_62 = tpu.memref_squeeze %dma_start3A_61 : memref<1x128xf32, #tpu.memory_space<hbm>> -> memref<128xf32, #tpu.memory_space<hbm>>
      %dma_start3A_63 = tpu.memref_slice %arg10[%mul3A_57] : memref<409600xf32, #tpu.memory_space<vmem_shared>> -> memref<128xf32, #tpu.memory_space<vmem_shared>>
      tpu.enqueue_dma source(%dma_start3A_63 : memref<128xf32, #tpu.memory_space<vmem_shared>>) target(%dma_start3A_62 : memref<128xf32, #tpu.memory_space<hbm>>) target_semaphore(%arg11 : memref<!tpu.dma_semaphore, #tpu.memory_space<semaphore_mem>>)
      %add3A_64 = arith.constant 1 : i32
      %add3A_65 = arith.addi %mul3A_7, %add3A_64 : i32
      %mul3A_66 = arith.constant 128 : i32
      %mul3A_67 = arith.muli %add3A_65, %mul3A_66 : i32
      %add3A_68 = arith.constant 1 : i32
      %add3A_69 = arith.addi %mul3A_7, %add3A_68 : i32
      %dma_start3A_70 = arith.constant 0 : i32
      %dma_start3A_71 = tpu.memref_slice %arg7[%add3A_69, %dma_start3A_70] : memref<128x128xf32, #tpu.memory_space<hbm>> -> memref<1x128xf32, #tpu.memory_space<hbm>>
      %dma_start3A_72 = tpu.memref_squeeze %dma_start3A_71 : memref<1x128xf32, #tpu.memory_space<hbm>> -> memref<128xf32, #tpu.memory_space<hbm>>
      %dma_start3A_73 = tpu.memref_slice %arg10[%mul3A_67] : memref<409600xf32, #tpu.memory_space<vmem_shared>> -> memref<128xf32, #tpu.memory_space<vmem_shared>>
      tpu.enqueue_dma source(%dma_start3A_73 : memref<128xf32, #tpu.memory_space<vmem_shared>>) target(%dma_start3A_72 : memref<128xf32, #tpu.memory_space<hbm>>) target_semaphore(%arg11 : memref<!tpu.dma_semaphore, #tpu.memory_space<semaphore_mem>>)
      %add3A_74 = arith.constant 2 : i32
      %add3A_75 = arith.addi %mul3A_7, %add3A_74 : i32
      %mul3A_76 = arith.constant 128 : i32
      %mul3A_77 = arith.muli %add3A_75, %mul3A_76 : i32
      %add3A_78 = arith.constant 2 : i32
      %add3A_79 = arith.addi %mul3A_7, %add3A_78 : i32
      %dma_start3A_80 = arith.constant 0 : i32
      %dma_start3A_81 = tpu.memref_slice %arg7[%add3A_79, %dma_start3A_80] : memref<128x128xf32, #tpu.memory_space<hbm>> -> memref<1x128xf32, #tpu.memory_space<hbm>>
      %dma_start3A_82 = tpu.memref_squeeze %dma_start3A_81 : memref<1x128xf32, #tpu.memory_space<hbm>> -> memref<128xf32, #tpu.memory_space<hbm>>
      %dma_start3A_83 = tpu.memref_slice %arg10[%mul3A_77] : memref<409600xf32, #tpu.memory_space<vmem_shared>> -> memref<128xf32, #tpu.memory_space<vmem_shared>>
      tpu.enqueue_dma source(%dma_start3A_83 : memref<128xf32, #tpu.memory_space<vmem_shared>>) target(%dma_start3A_82 : memref<128xf32, #tpu.memory_space<hbm>>) target_semaphore(%arg11 : memref<!tpu.dma_semaphore, #tpu.memory_space<semaphore_mem>>)
      %add3A_84 = arith.constant 3 : i32
      %add3A_85 = arith.addi %mul3A_7, %add3A_84 : i32
      %mul3A_86 = arith.constant 128 : i32
      %mul3A_87 = arith.muli %add3A_85, %mul3A_86 : i32
      %add3A_88 = arith.constant 3 : i32
      %add3A_89 = arith.addi %mul3A_7, %add3A_88 : i32
      %dma_start3A_90 = arith.constant 0 : i32
      %dma_start3A_91 = tpu.memref_slice %arg7[%add3A_89, %dma_start3A_90] : memref<128x128xf32, #tpu.memory_space<hbm>> -> memref<1x128xf32, #tpu.memory_space<hbm>>
      %dma_start3A_92 = tpu.memref_squeeze %dma_start3A_91 : memref<1x128xf32, #tpu.memory_space<hbm>> -> memref<128xf32, #tpu.memory_space<hbm>>
      %dma_start3A_93 = tpu.memref_slice %arg10[%mul3A_87] : memref<409600xf32, #tpu.memory_space<vmem_shared>> -> memref<128xf32, #tpu.memory_space<vmem_shared>>
      tpu.enqueue_dma source(%dma_start3A_93 : memref<128xf32, #tpu.memory_space<vmem_shared>>) target(%dma_start3A_92 : memref<128xf32, #tpu.memory_space<hbm>>) target_semaphore(%arg11 : memref<!tpu.dma_semaphore, #tpu.memory_space<semaphore_mem>>)
      %add3A_94 = arith.constant 4 : i32
      %add3A_95 = arith.addi %mul3A_7, %add3A_94 : i32
      %mul3A_96 = arith.constant 128 : i32
      %mul3A_97 = arith.muli %add3A_95, %mul3A_96 : i32
      %add3A_98 = arith.constant 4 : i32
      %add3A_99 = arith.addi %mul3A_7, %add3A_98 : i32
      %dma_start3A_100 = arith.constant 0 : i32
      %dma_start3A_101 = tpu.memref_slice %arg7[%add3A_99, %dma_start3A_100] : memref<128x128xf32, #tpu.memory_space<hbm>> -> memref<1x128xf32, #tpu.memory_space<hbm>>
      %dma_start3A_102 = tpu.memref_squeeze %dma_start3A_101 : memref<1x128xf32, #tpu.memory_space<hbm>> -> memref<128xf32, #tpu.memory_space<hbm>>
      %dma_start3A_103 = tpu.memref_slice %arg10[%mul3A_97] : memref<409600xf32, #tpu.memory_space<vmem_shared>> -> memref<128xf32, #tpu.memory_space<vmem_shared>>
      tpu.enqueue_dma source(%dma_start3A_103 : memref<128xf32, #tpu.memory_space<vmem_shared>>) target(%dma_start3A_102 : memref<128xf32, #tpu.memory_space<hbm>>) target_semaphore(%arg11 : memref<!tpu.dma_semaphore, #tpu.memory_space<semaphore_mem>>)
      %add3A_104 = arith.constant 5 : i32
      %add3A_105 = arith.addi %mul3A_7, %add3A_104 : i32
      %mul3A_106 = arith.constant 128 : i32
      %mul3A_107 = arith.muli %add3A_105, %mul3A_106 : i32
      %add3A_108 = arith.constant 5 : i32
      %add3A_109 = arith.addi %mul3A_7, %add3A_108 : i32
      %dma_start3A_110 = arith.constant 0 : i32
      %dma_start3A_111 = tpu.memref_slice %arg7[%add3A_109, %dma_start3A_110] : memref<128x128xf32, #tpu.memory_space<hbm>> -> memref<1x128xf32, #tpu.memory_space<hbm>>
      %dma_start3A_112 = tpu.memref_squeeze %dma_start3A_111 : memref<1x128xf32, #tpu.memory_space<hbm>> -> memref<128xf32, #tpu.memory_space<hbm>>
      %dma_start3A_113 = tpu.memref_slice %arg10[%mul3A_107] : memref<409600xf32, #tpu.memory_space<vmem_shared>> -> memref<128xf32, #tpu.memory_space<vmem_shared>>
      tpu.enqueue_dma source(%dma_start3A_113 : memref<128xf32, #tpu.memory_space<vmem_shared>>) target(%dma_start3A_112 : memref<128xf32, #tpu.memory_space<hbm>>) target_semaphore(%arg11 : memref<!tpu.dma_semaphore, #tpu.memory_space<semaphore_mem>>)
      %add3A_114 = arith.constant 6 : i32
      %add3A_115 = arith.addi %mul3A_7, %add3A_114 : i32
      %mul3A_116 = arith.constant 128 : i32
      %mul3A_117 = arith.muli %add3A_115, %mul3A_116 : i32
      %add3A_118 = arith.constant 6 : i32
      %add3A_119 = arith.addi %mul3A_7, %add3A_118 : i32
      %dma_start3A_120 = arith.constant 0 : i32
      %dma_start3A_121 = tpu.memref_slice %arg7[%add3A_119, %dma_start3A_120] : memref<128x128xf32, #tpu.memory_space<hbm>> -> memref<1x128xf32, #tpu.memory_space<hbm>>
      %dma_start3A_122 = tpu.memref_squeeze %dma_start3A_121 : memref<1x128xf32, #tpu.memory_space<hbm>> -> memref<128xf32, #tpu.memory_space<hbm>>
      %dma_start3A_123 = tpu.memref_slice %arg10[%mul3A_117] : memref<409600xf32, #tpu.memory_space<vmem_shared>> -> memref<128xf32, #tpu.memory_space<vmem_shared>>
      tpu.enqueue_dma source(%dma_start3A_123 : memref<128xf32, #tpu.memory_space<vmem_shared>>) target(%dma_start3A_122 : memref<128xf32, #tpu.memory_space<hbm>>) target_semaphore(%arg11 : memref<!tpu.dma_semaphore, #tpu.memory_space<semaphore_mem>>)
      %add3A_124 = arith.constant 7 : i32
      %add3A_125 = arith.addi %mul3A_7, %add3A_124 : i32
      %mul3A_126 = arith.constant 128 : i32
      %mul3A_127 = arith.muli %add3A_125, %mul3A_126 : i32
      %add3A_128 = arith.constant 7 : i32
      %add3A_129 = arith.addi %mul3A_7, %add3A_128 : i32
      %dma_start3A_130 = arith.constant 0 : i32
      %dma_start3A_131 = tpu.memref_slice %arg7[%add3A_129, %dma_start3A_130] : memref<128x128xf32, #tpu.memory_space<hbm>> -> memref<1x128xf32, #tpu.memory_space<hbm>>
      %dma_start3A_132 = tpu.memref_squeeze %dma_start3A_131 : memref<1x128xf32, #tpu.memory_space<hbm>> -> memref<128xf32, #tpu.memory_space<hbm>>
      %dma_start3A_133 = tpu.memref_slice %arg10[%mul3A_127] : memref<409600xf32, #tpu.memory_space<vmem_shared>> -> memref<128xf32, #tpu.memory_space<vmem_shared>>
      tpu.enqueue_dma source(%dma_start3A_133 : memref<128xf32, #tpu.memory_space<vmem_shared>>) target(%dma_start3A_132 : memref<128xf32, #tpu.memory_space<hbm>>) target_semaphore(%arg11 : memref<!tpu.dma_semaphore, #tpu.memory_space<semaphore_mem>>)
      %dma_wait3A_134 = arith.constant 0 : i32
      %dma_wait3A_135 = tpu.memref_slice %arg7[%add3A_59, %dma_wait3A_134] : memref<128x128xf32, #tpu.memory_space<hbm>> -> memref<1x128xf32, #tpu.memory_space<hbm>>
      %dma_wait3A_136 = tpu.memref_squeeze %dma_wait3A_135 : memref<1x128xf32, #tpu.memory_space<hbm>> -> memref<128xf32, #tpu.memory_space<hbm>>
      %dma_wait3A_137 = tpu.memref_slice %arg10[%mul3A_57] : memref<409600xf32, #tpu.memory_space<vmem_shared>> -> memref<128xf32, #tpu.memory_space<vmem_shared>>
      tpu.wait_dma2 semaphore(%arg11 : memref<!tpu.dma_semaphore, #tpu.memory_space<semaphore_mem>>) src(%dma_wait3A_137 : memref<128xf32, #tpu.memory_space<vmem_shared>>) dst(%dma_wait3A_136 : memref<128xf32, #tpu.memory_space<hbm>>)
      %dma_wait3A_138 = arith.constant 0 : i32
      %dma_wait3A_139 = tpu.memref_slice %arg7[%add3A_69, %dma_wait3A_138] : memref<128x128xf32, #tpu.memory_space<hbm>> -> memref<1x128xf32, #tpu.memory_space<hbm>>
      %dma_wait3A_140 = tpu.memref_squeeze %dma_wait3A_139 : memref<1x128xf32, #tpu.memory_space<hbm>> -> memref<128xf32, #tpu.memory_space<hbm>>
      %dma_wait3A_141 = tpu.memref_slice %arg10[%mul3A_67] : memref<409600xf32, #tpu.memory_space<vmem_shared>> -> memref<128xf32, #tpu.memory_space<vmem_shared>>
      tpu.wait_dma2 semaphore(%arg11 : memref<!tpu.dma_semaphore, #tpu.memory_space<semaphore_mem>>) src(%dma_wait3A_141 : memref<128xf32, #tpu.memory_space<vmem_shared>>) dst(%dma_wait3A_140 : memref<128xf32, #tpu.memory_space<hbm>>)
      %dma_wait3A_142 = arith.constant 0 : i32
      %dma_wait3A_143 = tpu.memref_slice %arg7[%add3A_79, %dma_wait3A_142] : memref<128x128xf32, #tpu.memory_space<hbm>> -> memref<1x128xf32, #tpu.memory_space<hbm>>
      %dma_wait3A_144 = tpu.memref_squeeze %dma_wait3A_143 : memref<1x128xf32, #tpu.memory_space<hbm>> -> memref<128xf32, #tpu.memory_space<hbm>>
      %dma_wait3A_145 = tpu.memref_slice %arg10[%mul3A_77] : memref<409600xf32, #tpu.memory_space<vmem_shared>> -> memref<128xf32, #tpu.memory_space<vmem_shared>>
      tpu.wait_dma2 semaphore(%arg11 : memref<!tpu.dma_semaphore, #tpu.memory_space<semaphore_mem>>) src(%dma_wait3A_145 : memref<128xf32, #tpu.memory_space<vmem_shared>>) dst(%dma_wait3A_144 : memref<128xf32, #tpu.memory_space<hbm>>)
      %dma_wait3A_146 = arith.constant 0 : i32
      %dma_wait3A_147 = tpu.memref_slice %arg7[%add3A_89, %dma_wait3A_146] : memref<128x128xf32, #tpu.memory_space<hbm>> -> memref<1x128xf32, #tpu.memory_space<hbm>>
      %dma_wait3A_148 = tpu.memref_squeeze %dma_wait3A_147 : memref<1x128xf32, #tpu.memory_space<hbm>> -> memref<128xf32, #tpu.memory_space<hbm>>
      %dma_wait3A_149 = tpu.memref_slice %arg10[%mul3A_87] : memref<409600xf32, #tpu.memory_space<vmem_shared>> -> memref<128xf32, #tpu.memory_space<vmem_shared>>
      tpu.wait_dma2 semaphore(%arg11 : memref<!tpu.dma_semaphore, #tpu.memory_space<semaphore_mem>>) src(%dma_wait3A_149 : memref<128xf32, #tpu.memory_space<vmem_shared>>) dst(%dma_wait3A_148 : memref<128xf32, #tpu.memory_space<hbm>>)
      %dma_wait3A_150 = arith.constant 0 : i32
      %dma_wait3A_151 = tpu.memref_slice %arg7[%add3A_99, %dma_wait3A_150] : memref<128x128xf32, #tpu.memory_space<hbm>> -> memref<1x128xf32, #tpu.memory_space<hbm>>
      %dma_wait3A_152 = tpu.memref_squeeze %dma_wait3A_151 : memref<1x128xf32, #tpu.memory_space<hbm>> -> memref<128xf32, #tpu.memory_space<hbm>>
      %dma_wait3A_153 = tpu.memref_slice %arg10[%mul3A_97] : memref<409600xf32, #tpu.memory_space<vmem_shared>> -> memref<128xf32, #tpu.memory_space<vmem_shared>>
      tpu.wait_dma2 semaphore(%arg11 : memref<!tpu.dma_semaphore, #tpu.memory_space<semaphore_mem>>) src(%dma_wait3A_153 : memref<128xf32, #tpu.memory_space<vmem_shared>>) dst(%dma_wait3A_152 : memref<128xf32, #tpu.memory_space<hbm>>)
      %dma_wait3A_154 = arith.constant 0 : i32
      %dma_wait3A_155 = tpu.memref_slice %arg7[%add3A_109, %dma_wait3A_154] : memref<128x128xf32, #tpu.memory_space<hbm>> -> memref<1x128xf32, #tpu.memory_space<hbm>>
      %dma_wait3A_156 = tpu.memref_squeeze %dma_wait3A_155 : memref<1x128xf32, #tpu.memory_space<hbm>> -> memref<128xf32, #tpu.memory_space<hbm>>
      %dma_wait3A_157 = tpu.memref_slice %arg10[%mul3A_107] : memref<409600xf32, #tpu.memory_space<vmem_shared>> -> memref<128xf32, #tpu.memory_space<vmem_shared>>
      tpu.wait_dma2 semaphore(%arg11 : memref<!tpu.dma_semaphore, #tpu.memory_space<semaphore_mem>>) src(%dma_wait3A_157 : memref<128xf32, #tpu.memory_space<vmem_shared>>) dst(%dma_wait3A_156 : memref<128xf32, #tpu.memory_space<hbm>>)
      %dma_wait3A_158 = arith.constant 0 : i32
      %dma_wait3A_159 = tpu.memref_slice %arg7[%add3A_119, %dma_wait3A_158] : memref<128x128xf32, #tpu.memory_space<hbm>> -> memref<1x128xf32, #tpu.memory_space<hbm>>
      %dma_wait3A_160 = tpu.memref_squeeze %dma_wait3A_159 : memref<1x128xf32, #tpu.memory_space<hbm>> -> memref<128xf32, #tpu.memory_space<hbm>>
      %dma_wait3A_161 = tpu.memref_slice %arg10[%mul3A_117] : memref<409600xf32, #tpu.memory_space<vmem_shared>> -> memref<128xf32, #tpu.memory_space<vmem_shared>>
      tpu.wait_dma2 semaphore(%arg11 : memref<!tpu.dma_semaphore, #tpu.memory_space<semaphore_mem>>) src(%dma_wait3A_161 : memref<128xf32, #tpu.memory_space<vmem_shared>>) dst(%dma_wait3A_160 : memref<128xf32, #tpu.memory_space<hbm>>)
      %dma_wait3A_162 = arith.constant 0 : i32
      %dma_wait3A_163 = tpu.memref_slice %arg7[%add3A_129, %dma_wait3A_162] : memref<128x128xf32, #tpu.memory_space<hbm>> -> memref<1x128xf32, #tpu.memory_space<hbm>>
      %dma_wait3A_164 = tpu.memref_squeeze %dma_wait3A_163 : memref<1x128xf32, #tpu.memory_space<hbm>> -> memref<128xf32, #tpu.memory_space<hbm>>
      %dma_wait3A_165 = tpu.memref_slice %arg10[%mul3A_127] : memref<409600xf32, #tpu.memory_space<vmem_shared>> -> memref<128xf32, #tpu.memory_space<vmem_shared>>
      tpu.wait_dma2 semaphore(%arg11 : memref<!tpu.dma_semaphore, #tpu.memory_space<semaphore_mem>>) src(%dma_wait3A_165 : memref<128xf32, #tpu.memory_space<vmem_shared>>) dst(%dma_wait3A_164 : memref<128xf32, #tpu.memory_space<hbm>>)
    } else {
    }
    return
  }
}

module attributes {stable_mosaic.version = 14 : i64} {
  func.func @_tc_dense_body(%arg0: memref<640x640xf32, #tpu.memory_space<any>>, %arg1: memref<640x640xf32, #tpu.memory_space<any>>, %arg2: memref<640x128xf32, #tpu.memory_space<vmem>>, %arg3: memref<128x128xf32, #tpu.memory_space<vmem>>, %arg4: memref<1x128xf32, #tpu.memory_space<vmem>>, %arg5: memref<128x128xf32, #tpu.memory_space<vmem>>, %arg6: memref<1x128xf32, #tpu.memory_space<vmem>>, %arg7: memref<256x2x128xf32, #tpu.memory_space<vmem>>, %arg8: memref<1x256xf32, #tpu.memory_space<vmem>>, %arg9: memref<128x128xf32, #tpu.memory_space<vmem>>, %arg10: memref<128x128xf32, #tpu.memory_space<vmem>>, %arg11: memref<128x128xf32, #tpu.memory_space<vmem>>, %arg12: memref<128x128xf32, #tpu.memory_space<vmem>>, %arg13: memref<1x128xf32, #tpu.memory_space<vmem>>, %arg14: memref<128x128xf32, #tpu.memory_space<vmem>>, %arg15: memref<1x128xf32, #tpu.memory_space<vmem>>, %arg16: memref<256x2x128xf32, #tpu.memory_space<vmem>>, %arg17: memref<1x256xf32, #tpu.memory_space<vmem>>, %arg18: memref<585x88xf32, #tpu.memory_space<vmem>>, %arg19: memref<585x256xf32, #tpu.memory_space<vmem>>, %arg20: memref<88x256xf32, #tpu.memory_space<vmem>>, %arg21: memref<640x640xf32, #tpu.memory_space<vmem>>, %arg22: memref<640x640xf32, #tpu.memory_space<vmem>>, %arg23: memref<!tpu.dma_semaphore, #tpu.memory_space<semaphore_mem>>, %arg24: memref<!tpu.dma_semaphore, #tpu.memory_space<semaphore_mem>>) attributes {dimension_semantics = [], scalar_prefetch = 0 : i64, scratch_operands = 4 : i64, tpu.core_type = #tpu.core_type<tc>} {
    tpu.enqueue_dma source(%arg0 : memref<640x640xf32, #tpu.memory_space<any>>) target(%arg21 : memref<640x640xf32, #tpu.memory_space<vmem>>) target_semaphore(%arg23 : memref<!tpu.dma_semaphore, #tpu.memory_space<semaphore_mem>>)
    tpu.enqueue_dma source(%arg1 : memref<640x640xf32, #tpu.memory_space<any>>) target(%arg22 : memref<640x640xf32, #tpu.memory_space<vmem>>) target_semaphore(%arg24 : memref<!tpu.dma_semaphore, #tpu.memory_space<semaphore_mem>>)
    %get3A = arith.constant 0 : index
    %get3A_0 = arith.constant 0 : index
    %get3A_1 = vector.load %arg9[%get3A, %get3A_0] : memref<128x128xf32, #tpu.memory_space<vmem>>, vector<128x128xf32>
    %get3A_2 = arith.constant 0 : index
    %get3A_3 = arith.constant 0 : index
    %get3A_4 = vector.load %arg10[%get3A_2, %get3A_3] : memref<128x128xf32, #tpu.memory_space<vmem>>, vector<128x128xf32>
    %mul3A = arith.mulf %get3A_1, %get3A_4 : vector<128x128xf32>
    %get3A_5 = arith.constant 0 : index
    %get3A_6 = arith.constant 0 : index
    %get3A_7 = vector.load %arg11[%get3A_5, %get3A_6] : memref<128x128xf32, #tpu.memory_space<vmem>>, vector<128x128xf32>
    %get3A_8 = arith.constant 0 : index
    %get3A_9 = arith.constant 0 : index
    %get3A_10 = vector.load %arg12[%get3A_8, %get3A_9] : memref<128x128xf32, #tpu.memory_space<vmem>>, vector<128x128xf32>
    %get3A_11 = arith.constant 0 : index
    %get3A_12 = arith.constant 0 : index
    %get3A_13 = vector.load %arg13[%get3A_11, %get3A_12] : memref<1x128xf32, #tpu.memory_space<vmem>>, vector<1x128xf32>
    %get3A_14 = arith.constant 0 : index
    %get3A_15 = arith.constant 0 : index
    %get3A_16 = vector.load %arg14[%get3A_14, %get3A_15] : memref<128x128xf32, #tpu.memory_space<vmem>>, vector<128x128xf32>
    %get3A_17 = arith.constant 0 : index
    %get3A_18 = arith.constant 0 : index
    %get3A_19 = vector.load %arg15[%get3A_17, %get3A_18] : memref<1x128xf32, #tpu.memory_space<vmem>>, vector<1x128xf32>
    %get3A_20 = arith.constant 0 : index
    %get3A_21 = arith.constant 0 : index
    %get3A_22 = arith.constant 0 : index
    %get3A_23 = vector.load %arg16[%get3A_20, %get3A_21, %get3A_22] : memref<256x2x128xf32, #tpu.memory_space<vmem>>, vector<256x2x128xf32>
    %get3A_24 = arith.constant 0 : index
    %get3A_25 = arith.constant 0 : index
    %get3A_26 = vector.load %arg17[%get3A_24, %get3A_25] : memref<1x256xf32, #tpu.memory_space<vmem>>, vector<1x256xf32>
    %broadcast_in_dim3A = arith.constant 1.000000e+00 : f32
    %broadcast_in_dim3A_27 = vector.broadcast %broadcast_in_dim3A : f32 to vector<128x1xf32>
    %dot_general3A = arith.constant dense<0.000000e+00> : vector<128x1xf32>
    %dot_general3A_28 = tpu.matmul %mul3A, %broadcast_in_dim3A_27, %dot_general3A {dimension_numbers = #tpu.dot_dimension_numbers<[0], [0], [1], [1], [0, 1, 1, 1], [], []>, precision = #tpu.contract_precision<fp32>, transpose_lhs_hint = false} : vector<128x128xf32>, vector<128x1xf32>, vector<128x1xf32> -> vector<128x1xf32>
    %add3A = arith.constant 1.000000e+00 : f32
    %add3A_29 = vector.broadcast %add3A : f32 to vector<128x1xf32>
    %add3A_30 = arith.addf %add3A_29, %dot_general3A_28 : vector<128x1xf32>
    %rsqrt3A = math.rsqrt %add3A_30 : vector<128x1xf32>
    %dot_general3A_31 = arith.constant dense<0.000000e+00> : vector<128x128xf32>
    %dot_general3A_32 = tpu.matmul %get3A_7, %get3A_10, %dot_general3A_31 {dimension_numbers = #tpu.dot_dimension_numbers<[1], [0], [0], [1], [0, 0, 1, 1], [], []>, transpose_lhs_hint = false} : vector<128x128xf32>, vector<128x128xf32>, vector<128x128xf32> -> vector<128x128xf32>
    %mul3A_33 = vector.broadcast %rsqrt3A : vector<128x1xf32> to vector<128x128xf32>
    %mul3A_34 = arith.mulf %mul3A_33, %dot_general3A_32 : vector<128x128xf32>
    %dot_general3A_35 = arith.constant dense<0.000000e+00> : vector<128x128xf32>
    %dot_general3A_36 = tpu.matmul %mul3A, %mul3A_34, %dot_general3A_35 {dimension_numbers = #tpu.dot_dimension_numbers<[0], [0], [1], [1], [0, 1, 1, 1], [], []>, precision = #tpu.contract_precision<fp32>, transpose_lhs_hint = false} : vector<128x128xf32>, vector<128x128xf32>, vector<128x128xf32> -> vector<128x128xf32>
    %mul3A_37 = vector.broadcast %rsqrt3A : vector<128x1xf32> to vector<128x128xf32>
    %mul3A_38 = arith.mulf %mul3A_37, %dot_general3A_36 : vector<128x128xf32>
    %mul3A_39 = arith.mulf %rsqrt3A, %rsqrt3A : vector<128x1xf32>
    %mul3A_40 = vector.broadcast %mul3A_39 : vector<128x1xf32> to vector<128x128xf32>
    %mul3A_41 = arith.mulf %mul3A_40, %dot_general3A_32 : vector<128x128xf32>
    %add3A_42 = arith.addf %mul3A_38, %mul3A_41 : vector<128x128xf32>
    %add3A_43 = vector.broadcast %get3A_13 : vector<1x128xf32> to vector<128x128xf32>
    %add3A_44 = arith.addf %add3A_42, %add3A_43 : vector<128x128xf32>
    %max3A = arith.constant 0.000000e+00 : f32
    %max3A_45 = vector.broadcast %max3A : f32 to vector<128x128xf32>
    %max3A_46 = arith.maximumf %add3A_44, %max3A_45 : vector<128x128xf32>
    %dot_general3A_47 = arith.constant dense<0.000000e+00> : vector<128x128xf32>
    %dot_general3A_48 = tpu.matmul %max3A_46, %get3A_16, %dot_general3A_47 {dimension_numbers = #tpu.dot_dimension_numbers<[1], [0], [0], [1], [0, 0, 1, 1], [], []>, transpose_lhs_hint = false} : vector<128x128xf32>, vector<128x128xf32>, vector<128x128xf32> -> vector<128x128xf32>
    %mul3A_49 = vector.broadcast %rsqrt3A : vector<128x1xf32> to vector<128x128xf32>
    %mul3A_50 = arith.mulf %mul3A_49, %dot_general3A_48 : vector<128x128xf32>
    %dot_general3A_51 = arith.constant dense<0.000000e+00> : vector<128x128xf32>
    %dot_general3A_52 = tpu.matmul %mul3A, %mul3A_50, %dot_general3A_51 {dimension_numbers = #tpu.dot_dimension_numbers<[0], [0], [1], [1], [0, 1, 1, 1], [], []>, precision = #tpu.contract_precision<fp32>, transpose_lhs_hint = false} : vector<128x128xf32>, vector<128x128xf32>, vector<128x128xf32> -> vector<128x128xf32>
    %mul3A_53 = vector.broadcast %rsqrt3A : vector<128x1xf32> to vector<128x128xf32>
    %mul3A_54 = arith.mulf %mul3A_53, %dot_general3A_52 : vector<128x128xf32>
    %mul3A_55 = arith.mulf %rsqrt3A, %rsqrt3A : vector<128x1xf32>
    %mul3A_56 = vector.broadcast %mul3A_55 : vector<128x1xf32> to vector<128x128xf32>
    %mul3A_57 = arith.mulf %mul3A_56, %dot_general3A_48 : vector<128x128xf32>
    %add3A_58 = arith.addf %mul3A_54, %mul3A_57 : vector<128x128xf32>
    %add3A_59 = vector.broadcast %get3A_19 : vector<1x128xf32> to vector<128x128xf32>
    %add3A_60 = arith.addf %add3A_58, %add3A_59 : vector<128x128xf32>
    %max3A_61 = arith.constant 0.000000e+00 : f32
    %max3A_62 = vector.broadcast %max3A_61 : f32 to vector<128x128xf32>
    %max3A_63 = arith.maximumf %add3A_60, %max3A_62 : vector<128x128xf32>
    %slice3A = vector.extract_strided_slice %get3A_23 {offsets = [0, 0, 0], sizes = [256, 1, 128], strides = [1, 1, 1]} : vector<256x2x128xf32> to vector<256x1x128xf32>
    %squeeze3A = vector.shape_cast %slice3A : vector<256x1x128xf32> to vector<256x128xf32>
    %dot_general3A_64 = arith.constant dense<0.000000e+00> : vector<128x256xf32>
    %dot_general3A_65 = tpu.matmul %max3A_46, %squeeze3A, %dot_general3A_64 {dimension_numbers = #tpu.dot_dimension_numbers<[1], [1], [0], [0], [0, 0, 1, 0], [], []>, transpose_lhs_hint = false} : vector<128x128xf32>, vector<256x128xf32>, vector<128x256xf32> -> vector<128x256xf32>
    %slice3A_66 = vector.extract_strided_slice %get3A_23 {offsets = [0, 1, 0], sizes = [256, 1, 128], strides = [1, 1, 1]} : vector<256x2x128xf32> to vector<256x1x128xf32>
    %squeeze3A_67 = vector.shape_cast %slice3A_66 : vector<256x1x128xf32> to vector<256x128xf32>
    %dot_general3A_68 = arith.constant dense<0.000000e+00> : vector<128x256xf32>
    %dot_general3A_69 = tpu.matmul %max3A_63, %squeeze3A_67, %dot_general3A_68 {dimension_numbers = #tpu.dot_dimension_numbers<[1], [1], [0], [0], [0, 0, 1, 0], [], []>, transpose_lhs_hint = false} : vector<128x128xf32>, vector<256x128xf32>, vector<128x256xf32> -> vector<128x256xf32>
    %add3A_70 = arith.addf %dot_general3A_65, %dot_general3A_69 : vector<128x256xf32>
    %add3A_71 = vector.broadcast %get3A_26 : vector<1x256xf32> to vector<128x256xf32>
    %add3A_72 = arith.addf %add3A_70, %add3A_71 : vector<128x256xf32>
    %get3A_73 = arith.constant 0 : index
    %get3A_74 = arith.constant 0 : index
    %get3A_75 = vector.load %arg2[%get3A_73, %get3A_74] : memref<640x128xf32, #tpu.memory_space<vmem>>, vector<640x128xf32>
    %get3A_76 = arith.constant 0 : index
    %get3A_77 = arith.constant 0 : index
    %get3A_78 = vector.load %arg3[%get3A_76, %get3A_77] : memref<128x128xf32, #tpu.memory_space<vmem>>, vector<128x128xf32>
    %dot_general3A_79 = arith.constant dense<0.000000e+00> : vector<640x128xf32>
    %dot_general3A_80 = tpu.matmul %get3A_75, %get3A_78, %dot_general3A_79 {dimension_numbers = #tpu.dot_dimension_numbers<[1], [0], [0], [1], [0, 0, 1, 1], [], []>, transpose_lhs_hint = false} : vector<640x128xf32>, vector<128x128xf32>, vector<640x128xf32> -> vector<640x128xf32>
    tpu.wait_dma2 semaphore(%arg23 : memref<!tpu.dma_semaphore, #tpu.memory_space<semaphore_mem>>) src(%arg0 : memref<640x640xf32, #tpu.memory_space<any>>) dst(%arg21 : memref<640x640xf32, #tpu.memory_space<vmem>>)
    tpu.wait_dma2 semaphore(%arg24 : memref<!tpu.dma_semaphore, #tpu.memory_space<semaphore_mem>>) src(%arg1 : memref<640x640xf32, #tpu.memory_space<any>>) dst(%arg22 : memref<640x640xf32, #tpu.memory_space<vmem>>)
    %get3A_81 = arith.constant 0 : index
    %get3A_82 = arith.constant 0 : index
    %get3A_83 = vector.load %arg21[%get3A_81, %get3A_82] : memref<640x640xf32, #tpu.memory_space<vmem>>, vector<640x640xf32>
    %get3A_84 = arith.constant 0 : index
    %get3A_85 = arith.constant 0 : index
    %get3A_86 = vector.load %arg22[%get3A_84, %get3A_85] : memref<640x640xf32, #tpu.memory_space<vmem>>, vector<640x640xf32>
    %mul3A_87 = arith.mulf %get3A_83, %get3A_86 : vector<640x640xf32>
    %get3A_88 = arith.constant 0 : index
    %get3A_89 = arith.constant 0 : index
    %get3A_90 = vector.load %arg4[%get3A_88, %get3A_89] : memref<1x128xf32, #tpu.memory_space<vmem>>, vector<1x128xf32>
    %get3A_91 = arith.constant 0 : index
    %get3A_92 = arith.constant 0 : index
    %get3A_93 = vector.load %arg5[%get3A_91, %get3A_92] : memref<128x128xf32, #tpu.memory_space<vmem>>, vector<128x128xf32>
    %get3A_94 = arith.constant 0 : index
    %get3A_95 = arith.constant 0 : index
    %get3A_96 = vector.load %arg6[%get3A_94, %get3A_95] : memref<1x128xf32, #tpu.memory_space<vmem>>, vector<1x128xf32>
    %get3A_97 = arith.constant 0 : index
    %get3A_98 = arith.constant 0 : index
    %get3A_99 = arith.constant 0 : index
    %get3A_100 = vector.load %arg7[%get3A_97, %get3A_98, %get3A_99] : memref<256x2x128xf32, #tpu.memory_space<vmem>>, vector<256x2x128xf32>
    %get3A_101 = arith.constant 0 : index
    %get3A_102 = arith.constant 0 : index
    %get3A_103 = vector.load %arg8[%get3A_101, %get3A_102] : memref<1x256xf32, #tpu.memory_space<vmem>>, vector<1x256xf32>
    %broadcast_in_dim3A_104 = arith.constant 1.000000e+00 : f32
    %broadcast_in_dim3A_105 = vector.broadcast %broadcast_in_dim3A_104 : f32 to vector<640x1xf32>
    %dot_general3A_106 = arith.constant dense<0.000000e+00> : vector<640x1xf32>
    %dot_general3A_107 = tpu.matmul %mul3A_87, %broadcast_in_dim3A_105, %dot_general3A_106 {dimension_numbers = #tpu.dot_dimension_numbers<[0], [0], [1], [1], [0, 1, 1, 1], [], []>, precision = #tpu.contract_precision<fp32>, transpose_lhs_hint = false} : vector<640x640xf32>, vector<640x1xf32>, vector<640x1xf32> -> vector<640x1xf32>
    %add3A_108 = arith.constant 1.000000e+00 : f32
    %add3A_109 = vector.broadcast %add3A_108 : f32 to vector<640x1xf32>
    %add3A_110 = arith.addf %add3A_109, %dot_general3A_107 : vector<640x1xf32>
    %rsqrt3A_111 = math.rsqrt %add3A_110 : vector<640x1xf32>
    %mul3A_112 = vector.broadcast %rsqrt3A_111 : vector<640x1xf32> to vector<640x128xf32>
    %mul3A_113 = arith.mulf %mul3A_112, %dot_general3A_80 : vector<640x128xf32>
    %dot_general3A_114 = arith.constant dense<0.000000e+00> : vector<640x128xf32>
    %dot_general3A_115 = tpu.matmul %mul3A_87, %mul3A_113, %dot_general3A_114 {dimension_numbers = #tpu.dot_dimension_numbers<[0], [0], [1], [1], [0, 1, 1, 1], [], []>, precision = #tpu.contract_precision<fp32>, transpose_lhs_hint = false} : vector<640x640xf32>, vector<640x128xf32>, vector<640x128xf32> -> vector<640x128xf32>
    %mul3A_116 = vector.broadcast %rsqrt3A_111 : vector<640x1xf32> to vector<640x128xf32>
    %mul3A_117 = arith.mulf %mul3A_116, %dot_general3A_115 : vector<640x128xf32>
    %mul3A_118 = arith.mulf %rsqrt3A_111, %rsqrt3A_111 : vector<640x1xf32>
    %mul3A_119 = vector.broadcast %mul3A_118 : vector<640x1xf32> to vector<640x128xf32>
    %mul3A_120 = arith.mulf %mul3A_119, %dot_general3A_80 : vector<640x128xf32>
    %add3A_121 = arith.addf %mul3A_117, %mul3A_120 : vector<640x128xf32>
    %add3A_122 = vector.broadcast %get3A_90 : vector<1x128xf32> to vector<640x128xf32>
    %add3A_123 = arith.addf %add3A_121, %add3A_122 : vector<640x128xf32>
    %max3A_124 = arith.constant 0.000000e+00 : f32
    %max3A_125 = vector.broadcast %max3A_124 : f32 to vector<640x128xf32>
    %max3A_126 = arith.maximumf %add3A_123, %max3A_125 : vector<640x128xf32>
    %dot_general3A_127 = arith.constant dense<0.000000e+00> : vector<640x128xf32>
    %dot_general3A_128 = tpu.matmul %max3A_126, %get3A_93, %dot_general3A_127 {dimension_numbers = #tpu.dot_dimension_numbers<[1], [0], [0], [1], [0, 0, 1, 1], [], []>, transpose_lhs_hint = false} : vector<640x128xf32>, vector<128x128xf32>, vector<640x128xf32> -> vector<640x128xf32>
    %mul3A_129 = vector.broadcast %rsqrt3A_111 : vector<640x1xf32> to vector<640x128xf32>
    %mul3A_130 = arith.mulf %mul3A_129, %dot_general3A_128 : vector<640x128xf32>
    %dot_general3A_131 = arith.constant dense<0.000000e+00> : vector<640x128xf32>
    %dot_general3A_132 = tpu.matmul %mul3A_87, %mul3A_130, %dot_general3A_131 {dimension_numbers = #tpu.dot_dimension_numbers<[0], [0], [1], [1], [0, 1, 1, 1], [], []>, precision = #tpu.contract_precision<fp32>, transpose_lhs_hint = false} : vector<640x640xf32>, vector<640x128xf32>, vector<640x128xf32> -> vector<640x128xf32>
    %mul3A_133 = vector.broadcast %rsqrt3A_111 : vector<640x1xf32> to vector<640x128xf32>
    %mul3A_134 = arith.mulf %mul3A_133, %dot_general3A_132 : vector<640x128xf32>
    %mul3A_135 = arith.mulf %rsqrt3A_111, %rsqrt3A_111 : vector<640x1xf32>
    %mul3A_136 = vector.broadcast %mul3A_135 : vector<640x1xf32> to vector<640x128xf32>
    %mul3A_137 = arith.mulf %mul3A_136, %dot_general3A_128 : vector<640x128xf32>
    %add3A_138 = arith.addf %mul3A_134, %mul3A_137 : vector<640x128xf32>
    %add3A_139 = vector.broadcast %get3A_96 : vector<1x128xf32> to vector<640x128xf32>
    %add3A_140 = arith.addf %add3A_138, %add3A_139 : vector<640x128xf32>
    %max3A_141 = arith.constant 0.000000e+00 : f32
    %max3A_142 = vector.broadcast %max3A_141 : f32 to vector<640x128xf32>
    %max3A_143 = arith.maximumf %add3A_140, %max3A_142 : vector<640x128xf32>
    %slice3A_144 = vector.extract_strided_slice %get3A_100 {offsets = [0, 0, 0], sizes = [256, 1, 128], strides = [1, 1, 1]} : vector<256x2x128xf32> to vector<256x1x128xf32>
    %squeeze3A_145 = vector.shape_cast %slice3A_144 : vector<256x1x128xf32> to vector<256x128xf32>
    %dot_general3A_146 = arith.constant dense<0.000000e+00> : vector<640x256xf32>
    %dot_general3A_147 = tpu.matmul %max3A_126, %squeeze3A_145, %dot_general3A_146 {dimension_numbers = #tpu.dot_dimension_numbers<[1], [1], [0], [0], [0, 0, 1, 0], [], []>, transpose_lhs_hint = false} : vector<640x128xf32>, vector<256x128xf32>, vector<640x256xf32> -> vector<640x256xf32>
    %slice3A_148 = vector.extract_strided_slice %get3A_100 {offsets = [0, 1, 0], sizes = [256, 1, 128], strides = [1, 1, 1]} : vector<256x2x128xf32> to vector<256x1x128xf32>
    %squeeze3A_149 = vector.shape_cast %slice3A_148 : vector<256x1x128xf32> to vector<256x128xf32>
    %dot_general3A_150 = arith.constant dense<0.000000e+00> : vector<640x256xf32>
    %dot_general3A_151 = tpu.matmul %max3A_143, %squeeze3A_149, %dot_general3A_150 {dimension_numbers = #tpu.dot_dimension_numbers<[1], [1], [0], [0], [0, 0, 1, 0], [], []>, transpose_lhs_hint = false} : vector<640x128xf32>, vector<256x128xf32>, vector<640x256xf32> -> vector<640x256xf32>
    %add3A_152 = arith.addf %dot_general3A_147, %dot_general3A_151 : vector<640x256xf32>
    %add3A_153 = vector.broadcast %get3A_103 : vector<1x256xf32> to vector<640x256xf32>
    %add3A_154 = arith.addf %add3A_152, %add3A_153 : vector<640x256xf32>
    %dot_general3A_155 = arith.constant dense<0.000000e+00> : vector<640x128xf32>
    %dot_general3A_156 = tpu.matmul %add3A_154, %add3A_72, %dot_general3A_155 {dimension_numbers = #tpu.dot_dimension_numbers<[1], [1], [0], [0], [0, 0, 1, 0], [], []>, transpose_lhs_hint = false} : vector<640x256xf32>, vector<128x256xf32>, vector<640x128xf32> -> vector<640x128xf32>
    %slice3A_157 = vector.extract_strided_slice %dot_general3A_156 {offsets = [0, 0], sizes = [585, 88], strides = [1, 1]} : vector<640x128xf32> to vector<585x88xf32>
    %swap3A = arith.constant 0 : index
    %swap3A_158 = arith.constant 0 : index
    %swap3A_159 = vector.load %arg18[%swap3A, %swap3A_158] : memref<585x88xf32, #tpu.memory_space<vmem>>, vector<585x88xf32>
    tpu.vector_store %arg18[%swap3A, %swap3A_158], %slice3A_157 {strides = array<i32>} : memref<585x88xf32, #tpu.memory_space<vmem>>, vector<585x88xf32>,
    %slice3A_160 = vector.extract_strided_slice %add3A_154 {offsets = [0, 0], sizes = [585, 256], strides = [1, 1]} : vector<640x256xf32> to vector<585x256xf32>
    %swap3A_161 = arith.constant 0 : index
    %swap3A_162 = arith.constant 0 : index
    %swap3A_163 = vector.load %arg19[%swap3A_161, %swap3A_162] : memref<585x256xf32, #tpu.memory_space<vmem>>, vector<585x256xf32>
    tpu.vector_store %arg19[%swap3A_161, %swap3A_162], %slice3A_160 {strides = array<i32>} : memref<585x256xf32, #tpu.memory_space<vmem>>, vector<585x256xf32>,
    %slice3A_164 = vector.extract_strided_slice %add3A_72 {offsets = [0, 0], sizes = [88, 256], strides = [1, 1]} : vector<128x256xf32> to vector<88x256xf32>
    %swap3A_165 = arith.constant 0 : index
    %swap3A_166 = arith.constant 0 : index
    %swap3A_167 = vector.load %arg20[%swap3A_165, %swap3A_166] : memref<88x256xf32, #tpu.memory_space<vmem>>, vector<88x256xf32>
    tpu.vector_store %arg20[%swap3A_165, %swap3A_166], %slice3A_164 {strides = array<i32>} : memref<88x256xf32, #tpu.memory_space<vmem>>, vector<88x256xf32>,
    return
  }
}

</mosaic_0001>

<sc_bundles>
// kernel: kernel.4.cloned.1.call-start
scs
__scs_entry_jumppad:
0x0: {  	(pc) =	sbr.rel $0x88, $3  }
0x1: {  	(tag) =	ssettag $0x0;
	lr =	simm.s32 $0x1  }
0x2: {  	[smem:$0x3F8F] =	sst lr;
	_ =	strace $0xD0000000  }
0x3: {  	_ = 	snop  }
0x4: {  	_ = 	snop  }
0x5: {  	_ = 	snop  }
0x6: {  	_ = 	snop  }
0x7: {  	_ = 	snop  }
__scs_overlays_trampoline_lowered:
0x8: {  	[smem:$0x3F9E] =	sst s0  }
0x9: {  	[smem:$0x3F9F] =	sst s1  }
0xa: {  	[smem:$0x3FA0] =	sst s2  }
0xb: {  	[smem:$0x3FA1] =	sst s3  }
0xc: {  	[smem:$0x3FA2] =	sst s4  }
0xd: {  	[smem:$0x3FA3] =	sst s5  }
0xe: {  	[smem:$0x3FA4] =	sst s6  }
0xf: {  	[smem:$0x3FA5] =	sst s7  }
0x10: {  	[smem:$0x3FA6] =	sst s8  }
0x11: {  	[smem:$0x3FA7] =	sst s9;
	s0 =	simm.s32 @!p0 $0x0  }
0x12: {  	s1 =	sld [smem:$0x3F8D];
	s0 =	simm.s32 @p0 $0x1  }
0x13: {  	[smem:$0x3FA8] =	sst s0;
	s0 =	simm.s32 @!p1 $0x0  }
0x14: {  	s2 =	sld [smem:$0x3F8C];
	s0 =	simm.s32 @p1 $0x1  }
0x15: {  	[smem:$0x3FA9] =	sst s0;
	s0 =	simm.s32 @!p2 $0x0  }
0x16: {  	s3 =	sld [smem:$0x3FDB];
	s0 =	simm.s32 @p2 $0x1  }
0x17: {  	s4 =	simm.s32 $0x1BF5;
	[smem:$0x3FAB] =	sst s0  }
0x18: {  	s0 =	sld [smem:$0x3F8E];
	_ =	swait.ge [sflag:s4], $0x0  }
0x19: {  	s7 =	sld [smem:$0x3F8F]  }
0x1a: {  	s8 =	sadd.s32 $0xFFFFE003, lr  }
0x1b: {  	s9 =	sadd.s32 $0xFFFFFEF7, lr;
	s5 =	simm.s32 $0xFFFFFFFF;
	p2 =	slt.u32 s8, $0xFFFFF086  }
0x1c: {  	p1 =	slt.u32 s9, $0xF7A;
	s5 =	simm.s32 @!p2 $0x0  }
0x1d: {  	s5 =	simm.s32 @p1 $0x1;
	p0 =	seq.s32 s7, s2  }
0x1e: {  	s7 =	smul.u32 @!p0 $0xF7A, s2;
	p2 =	seq.s32 @!p0 s5, $0x0  }
0x1f: {  	s9 =	smul.u32 $0xF7A, s1;
	s8 =	simm.s32 @!p0 $0x1BF5;
	p2 =	por !p2, p0  }
0x20: {  	[sflag:s8] =	ssyncset.s32 @!p0 $0xFFFFF086;
	s6 =	sadd.s32 @!p0 s3, s7;
	s7 =	simm.s32 @!p0 $0x108  }
0x21: {  	s3 =	sadd.s32 s3, s9;
	s6 =	sadd.s32 @!p0 $0x88, s6;
	s7 =	simm.s32 @p2 $0x1082  }
0x22: {  	[simem:s7], [sflag:s8] =	dma.local @!p0 [hbm:s6], $0xF7A  }
0x23: {  	s9 =	sor.u32 $0xD0000000, s2;
	s6 =	simm.s32 $0x108;
	_ =	swait.ge @!p0 [sflag:s8], $0x0  }
0x24: {  	s3 =	sadd.s32 $0x88, s3;
	s6 =	simm.s32 @!p1 $0x1082;
	[sflag:s4] =	ssyncset.s32 $0xFFFFF086  }
0x25: {  	[simem:s6], [sflag:s4] =	dma.local [hbm:s3], $0xF7A  }
0x26: {  	[smem:$0x3F8F] =	sst s1;
	(tag) =	ssettag s2;
	_ =	strace s9  }
0x27: {  	s1 =	sld [smem:$0x3F9F]  }
0x28: {  	s2 =	sld [smem:$0x3FA0]  }
0x29: {  	s4 =	sld [smem:$0x3FA2]  }
0x2a: {  	p0 =	seq.s32 s5, $0x0;
	s5 =	sld [smem:$0x3FA3]  }
0x2b: {  	s6 =	sld [smem:$0x3FA4]  }
0x2c: {  	s7 =	sld [smem:$0x3FA5]  }
0x2d: {  	s3 =	simm.s32 $0x108;
	s8 =	sld [smem:$0x3FA6]  }
0x2e: {  	s3 =	simm.s32 @!p0 $0x1082;
	s9 =	sld [smem:$0x3FA7]  }
0x2f: {  	lr =	sadd.s32 s0, s3;
	s0 =	sld [smem:$0x3F9E]  }
0x30: {  	s3 =	sld [smem:$0x3FA1]  }
0x31: {  	[smem:$0x3FAA] =	sst s10  }
0x32: {  	s10 =	sld [smem:$0x3FA8];
	_ =	sdelay $0x3  }
0x33: {  	p0 =	seq.s32 s10, $0x1;
	s10 =	sld [smem:$0x3FAA];
	_ =	sdelay $0x3  }
0x34: {  	[smem:$0x3FAA] =	sst s10  }
0x35: {  	s10 =	sld [smem:$0x3FA9];
	_ =	sdelay $0x3  }
0x36: {  	p1 =	seq.s32 s10, $0x1;
	s10 =	sld [smem:$0x3FAA];
	_ =	sdelay $0x3  }
0x37: {  	[smem:$0x3FAA] =	sst s10  }
0x38: {  	s10 =	sld [smem:$0x3FAB]  }
0x39: {  	_ = 	snop;
	(pc) =	sbr.ind lr, $3  }
0x3a: {  	_ = 	snop  }
0x3b: {  	_ = 	snop  }
0x3c: {  	p2 =	seq.s32 s10, $0x1;
	s10 =	sld [smem:$0x3FAA]  }
0x3d: {  	_ =	shalt  }
0x3e: {  	_ =	shalt  }
0x3f: {  	_ =	shalt  }
0x40: {  	_ =	shalt  }
0x41: {  	_ =	shalt  }
0x42: {  	_ =	shalt  }
0x43: {  	_ =	shalt  }
0x44: {  	_ =	shalt  }
0x45: {  	_ =	shalt  }
0x46: {  	_ =	shalt  }
0x47: {  	_ =	shalt  }
0x48: {  	_ =	shalt  }
0x49: {  	_ =	shalt  }
0x4a: {  	_ =	shalt  }
0x4b: {  	_ =	shalt  }
0x4c: {  	_ =	shalt  }
0x4d: {  	_ =	shalt  }
0x4e: {  	_ =	shalt  }
0x4f: {  	_ =	shalt  }
0x50: {  	_ =	shalt  }
0x51: {  	_ =	shalt  }
0x52: {  	_ =	shalt  }
0x53: {  	_ =	shalt  }
0x54: {  	_ =	shalt  }
0x55: {  	_ =	shalt  }
0x56: {  	_ =	shalt  }
0x57: {  	_ =	shalt  }
0x58: {  	_ =	shalt  }
0x59: {  	_ =	shalt  }
0x5a: {  	_ =	shalt  }
0x5b: {  	_ =	shalt  }
0x5c: {  	_ =	shalt  }
0x5d: {  	_ =	shalt  }
0x5e: {  	_ =	shalt  }
0x5f: {  	_ =	shalt  }
0x60: {  	_ =	shalt  }
0x61: {  	_ =	shalt  }
0x62: {  	_ =	shalt  }
0x63: {  	_ =	shalt  }
0x64: {  	_ =	shalt  }
0x65: {  	_ =	shalt  }
0x66: {  	_ =	shalt  }
0x67: {  	_ =	shalt  }
0x68: {  	_ =	shalt  }
0x69: {  	_ =	shalt  }
0x6a: {  	_ =	shalt  }
0x6b: {  	_ =	shalt  }
0x6c: {  	_ =	shalt  }
0x6d: {  	_ =	shalt  }
0x6e: {  	_ =	shalt  }
0x6f: {  	_ =	shalt  }
0x70: {  	_ =	shalt  }
0x71: {  	_ =	shalt  }
0x72: {  	_ =	shalt  }
0x73: {  	_ =	shalt  }
0x74: {  	_ =	shalt  }
0x75: {  	_ =	shalt  }
0x76: {  	_ =	shalt  }
0x77: {  	_ =	shalt  }
0x78: {  	_ =	shalt  }
0x79: {  	_ =	shalt  }
0x7a: {  	_ =	shalt  }
0x7b: {  	_ =	shalt  }
0x7c: {  	_ =	shalt  }
0x7d: {  	_ =	shalt  }
0x7e: {  	_ =	shalt  }
0x7f: {  	_ =	shalt  }
0x80: {  	_ =	shalt  }
0x81: {  	_ =	shalt  }
0x82: {  	_ =	shalt  }
0x83: {  	_ =	shalt  }
0x84: {  	_ =	shalt  }
0x85: {  	_ =	shalt  }
0x86: {  	_ =	shalt  }
0x87: {  	_ =	shalt  }
.Lfunc_end0:
.L_simem_size_0:
called_computation_lowered:
.L_overlay_start_0:
0x88: {  	s2 =	sld [smem:$0x3FD9]  }
0x89: {  	s3 =	sld [smem:$0x3FFE];
	_ =	sdelay $0x1  }
0x8a: {  	s1 =	srdreg.scid  }
0x8b: {  	s0 =	sand.u32 $0x1, s1  }
0x8c: {  	s14 =	sshll.u32 s0, $0xA;
	s2 =	sadd.s32 s3, s2  }
0x8d: {  	s2 =	sadd.s32 s2, s14  }
0x8e: {  	[smem:$0x3FB6] =	sst s2  }
0x8f: {  	_ = 	snop  }
0x90: {  	s2 =	sld [smem:$0x3FD0];
	_ =	sdelay $0x2  }
0x91: {  	s15 =	simm.s32 $0xA;
	s4 =	simm.s32 $0x10  }
0x92: {  	[smem:s4], [sflag:s15] =	dma.local [hbm:s2], $0x1  }
0x93: {  	_ =	swait.eq [sflag:s15], $0x1  }
0x94: {  	s16 =	sld [smem:$0x10];
	[sflag:s15] =	ssyncset.done $0x0  }
0x95: {  	s17 =	sld [smem:$0x11];
	[sflag:s15] =	ssyncadd.s32 $0xFFFFFFFF  }
0x96: {  	s18 =	sld [smem:$0x12];
	(tm) =	ssettm $0x1  }
0x97: {  	s5 =	sld [smem:$0x3FFB];
	_ =	sdelay $0x3  }
0x98: {  	_ =	strace s5  }
0x99: {  	s5 =	sld [smem:$0x3FFC];
	_ =	sdelay $0x3  }
0x9a: {  	_ =	strace s5  }
0x9b: {  	s5 =	sld [smem:$0x3FFD];
	_ =	sdelay $0x3  }
0x9c: {  	_ =	strace s5  }
0x9d: {  	_ =	strace $0x8FFFFFFF  }
0x9e: {  	s19 =	sld [smem:$0x3FDB];
	_ =	sdelay $0x1  }
0x9f: {  	s6 =	simm.s32 $_scs_section_size  }
0xa0: {  	s7 =	simm.s32 $_size__tile_overlayer_lowered;
	s8 =	simm.s32 $_tile_overlayer_lowered  }
0xa1: {  	s22 =	simm.s32 $0x1BFF;
	s21 =	sshll.u32 s8, $0x1;
	s5 =	sadd.s32 s6, s19  }
0xa2: {  	s9 =	simm.s32 $0x0;
	s20 =	sshll.u32 s7, $0x1;
	s7 =	sadd.s32 s21, s5  }
0xa3: {  	[timem:s9], [sflag:s22] =	dma.local [hbm:s7], s20  }
0xa4: {  	_ =	swait.ge [sflag:s22], s20  }
0xa5: {  	s6 =	ssub.s32 $0x0, s20;
	[sflag:s22] =	ssyncset.done $0x0  }
0xa6: {  	[sflag:s22] =	ssyncadd.s32 s6;
	_ =	sdelay $0x1  }
0xa7: {  	s23 =	simm.s32 $0x1B8B  }
0xa8: {  	_ =	swait.ge [sflag:s23], $0x1  }
0xa9: {  	[sflag:s23] =	ssyncset.done $0x0  }
0xaa: {  	s25 =	simm.s32 $0x1B8E;
	s24 =	sld [smem:$0x3FFE];
	[sflag:s23] =	ssyncadd.s32 $0xFFFFFFFF  }
0xab: {  	s26 =	simm.s32 $execute0_lowered;
	[smem:$0x3FD2] =	sst s25  }
0xac: {  	s7 =	sshll.u32 s26, $0x1;
	_ =	strace $0x80000046;
	[dreg:$0x1] =	wrdreg $0xFFFFFFFF  }
0xad: {  	s28 =	simm.s32 $_size_execute0_lowered;
	s5 =	sadd.s32 s5, s7;
	[dreg:$0x0] =	wrdreg $0x0  }
0xae: {  	s7 =	sshll.u32 s28, $0x1;
	[dreg:$0x2] =	wrdreg s5  }
0xaf: {  	[dreg:$0x3] =	wrdreg s7  }
0xb0: {  	[dreg:$0x4] =	wrdreg $0xC0  }
0xb1: {  	_ =	task [dreg:s9], $0x5FFFF  }
0xb2: {  	[dreg:$0x1] =	wrdreg $0xFFFFFFFF  }
0xb3: {  	[dreg:$0x0] =	wrdreg $0x60  }
0xb4: {  	[dreg:$0x2] =	wrdreg s18  }
0xb5: {  	[dreg:$0x3] =	wrdreg s24  }
0xb6: {  	[dreg:$0x4] =	wrdreg s16  }
0xb7: {  	[dreg:$0x5] =	wrdreg s17  }
0xb8: {  	[dreg:$0x6] =	wrdreg $0x4800  }
0xb9: {  	[dreg:$0x7] =	wrdreg $0x9  }
0xba: {  	_ =	task.clear_ibuf [dreg:s9], $0x8FFFF;
	_ =	strace $0x90000046  }
0xbb: {  	s29 =	simm.s32 $0x9;
	_ =	strace $0x80000048  }
0xbc: {  	_ =	swait.ge [sflag:s29], $0x1  }
0xbd: {  	[sflag:s29] =	ssyncadd.s32 $0xFFFFFFFF  }
0xbe: {  	_ =	strace $0x90000048  }
0xbf: {  	_ =	sfence  }
0xc0: {  	s30 =	sld [smem:$0x0];
	_ =	sdelay $0x2  }
0xc1: {  	s31 =	sshll.u32 s1, $0xD;
	s1 =	sshrl.u32 s1, $0x2  }
0xc2: {  	s3 =	sand.u32 $0x4000, s31;
	s1 =	sadd.s32 s1, s30  }
0xc3: {  	s0 =	sor.u32 s3, s0;
	s1 =	sshll.u32 s1, $0x11  }
0xc4: {  	s0 =	sor.u32 s1, s0  }
0xc5: {  	s0 =	sadd.s32 $0x8F2B, s0  }
0xc6: {  	[sflag:s0] =	ssyncadd.remote.s32 $0x1  }
0xc7: {  	_ =	sfence.sel $0xFFFF  }
0xc8: {  	[dreg:$0x0] =	wrdreg $0xFFFFFFFF;
	(pc) =	sbr.abs _section_cstart, $3  }
0xc9: {  	[dreg:$0x1] =	wrdreg $0xFFFFFFFF  }
0xca: {  	_ =	task.clear_ibuf [dreg:s9], $0x2FFFF;
	_ =	strace $0x9FFFFFFF  }
0xcb: {  	(tm) =	ssettm $0x7FFFFFFF  }
tec
execute0_lowered:
.L_overlay_start_1:
0x0: {  	(tag) =	ssettag $0x1  }
0x1: {  	s0 =	stileid.u32  }
0x2: {  	s3 =	srdreg.scid;
	s2 =	rddreg [dreg:$0x1]  }
0x3: {  	s1 =	simm.s32 $0x0;
	s0 =	smul.u32 $0x28, s0;
	s3 =	sand.u32 $0x1, s3  }
0x4: {  	[smem:$0x7FF] =	sst s1;
	s9 =	sadd.s32 $0x2200, s2;
	s10 =	sadd.s32 $0x2210, s2  }
0x5: {  	s11 =	sadd.s32 $0x2220, s2;
	s31 =	sadd.s32 $0x2000, s2;
	s4 =	ssub.s32 $0x2, s3  }
0x6: {  	p0 =	seq.s32 s3, $0x1;
	s5 =	sshrl.u32 s0, $0x3;
	s6 =	sshrl.u32 s4, $0x1  }
0x7: {  	s8 =	sadd.s32 $0x9, s0;
	s14 =	sadd.s32 $0xA, s0;
	s16 =	sadd.s32 $0xB, s0  }
0x8: {  	s18 =	sadd.s32 $0xC, s0;
	s20 =	sadd.s32 $0xD, s0;
	s23 =	sadd.s32 $0x11, s0  }
0x9: {  	s5 =	smul.u32 $0x280, s5;
	s4 =	ssub.s32 s4, s6;
	s13 =	sshrl.u32 s8, $0x3  }
0xa: {  	s15 =	sshrl.u32 s14, $0x3;
	s17 =	sshrl.u32 s16, $0x3;
	s13 =	smul.u32 $0x280, s13  }
0xb: {  	s19 =	sshrl.u32 s18, $0x3;
	s16 =	sadd.s32 $0xF, s0;
	s14 =	smul.u32 $0x280, s15  }
0xc: {  	s18 =	sadd.s32 $0x18, s0;
	[smem:$0x7CA] =	sst s4;
	s15 =	smul.u32 $0x280, s17  }
0xd: {  	s3 =	smul.u32 $0x280, s19;
	s22 =	sshrl.u32 s16, $0x3;
	s16 =	sshrl.u32 s23, $0x3  }
0xe: {  	s17 =	sadd.s32 $0x12, s0;
	s18 =	sshrl.u32 s18, $0x3;
	s19 =	sadd.s32 $0x19, s0  }
0xf: {  	s23 =	sadd.s32 $0x1B, s0;
	s4 =	sadd.s32 s9, s5;
	s6 =	sadd.s32 s5, s10  }
0x10: {  	s16 =	smul.u32 $0x280, s16;
	s17 =	sshrl.u32 s17, $0x3;
	[smem:$0x7FD] =	sst s4  }
0x11: {  	s18 =	smul.u32 $0x280, s18;
	s19 =	sshrl.u32 s19, $0x3;
	[dreg:$0x6] =	wrdreg s6  }
0x12: {  	s4 =	sadd.s32 $0x8, s0;
	s6 =	sshrl.u32 s20, $0x3;
	s17 =	smul.u32 $0x280, s17  }
0x13: {  	s20 =	sadd.s32 $0x21, s0;
	s24 =	smul.u32 $0x280, s19;
	s13 =	sadd.s32 s13, s10  }
0x14: {  	s19 =	sadd.s32 $0x22, s0;
	s7 =	sshrl.u32 s4, $0x3;
	s8 =	smul.u32 $0x280, s6  }
0x15: {  	s6 =	smul.u32 $0x280, s22;
	s25 =	sshrl.u32 s20, $0x3;
	[dreg:$0x8] =	wrdreg s13  }
0x16: {  	s26 =	sadd.s32 s16, s10;
	s20 =	sadd.s32 $0x13, s0;
	s12 =	smul.u32 $0x280, s7  }
0x17: {  	s7 =	sadd.s32 $0xE, s0;
	[dreg:$0x9] =	wrdreg s26;
	s30 =	smul.u32 $0x280, s25  }
0x18: {  	s16 =	sadd.s32 s24, s10;
	s22 =	sadd.s32 s17, s11;
	s24 =	sshrl.u32 s23, $0x3  }
0x19: {  	s25 =	sadd.s32 s5, s11;
	s26 =	sadd.s32 $0x23, s0;
	[dreg:$0xb] =	wrdreg s16  }
0x1a: {  	s23 =	sadd.s32 $0x2240, s2;
	s21 =	sshrl.u32 s7, $0x3;
	[dreg:$0xe] =	wrdreg s22  }
0x1b: {  	[dreg:$0x11] =	wrdreg s25;
	s16 =	sadd.s32 $0x14, s0;
	s22 =	sadd.s32 $0x24, s0  }
0x1c: {  	s3 =	sadd.s32 s3, s23;
	s7 =	smul.u32 $0x280, s21;
	s12 =	sadd.s32 s9, s12  }
0x1d: {  	s9 =	sadd.s32 s9, s18;
	s18 =	sadd.s32 $0x1A, s0;
	[dreg:$0x17] =	wrdreg s3  }
0x1e: {  	s10 =	sadd.s32 s30, s10;
	s21 =	sadd.s32 s14, s11;
	[dreg:$0x7] =	wrdreg s12  }
0x1f: {  	s30 =	sadd.s32 $0x2230, s2;
	s13 =	sshrl.u32 s16, $0x3;
	[dreg:$0xa] =	wrdreg s9  }
0x20: {  	s14 =	sadd.s32 $0x2250, s2;
	s9 =	sshrl.u32 s18, $0x3;
	[dreg:$0xc] =	wrdreg s10  }
0x21: {  	s10 =	sshrl.u32 s19, $0x3;
	[dreg:$0xd] =	wrdreg s21;
	s12 =	sshrl.u32 s20, $0x3  }
0x22: {  	s17 =	sadd.s32 s15, s30;
	s18 =	smul.u32 $0x280, s13;
	s19 =	sadd.s32 $0x1C, s0  }
0x23: {  	s21 =	sadd.s32 s5, s30;
	s13 =	sadd.s32 $0x25, s0;
	s9 =	smul.u32 $0x280, s9  }
0x24: {  	s15 =	sadd.s32 $0x16, s0;
	s10 =	smul.u32 $0x280, s10;
	[dreg:$0x12] =	wrdreg s17  }
0x25: {  	s8 =	sadd.s32 s8, s14;
	s12 =	smul.u32 $0x280, s12;
	[dreg:$0x16] =	wrdreg s21  }
0x26: {  	s20 =	sshrl.u32 s19, $0x3;
	[dreg:$0x1c] =	wrdreg s8;
	s16 =	sshrl.u32 s15, $0x3  }
0x27: {  	s21 =	sadd.s32 $0x26, s0;
	s15 =	stileid.u32;
	s17 =	smul.u32 $0x280, s16  }
0x28: {  	s16 =	smul.u32 $0x19000, s15;
	s9 =	sadd.s32 s9, s11;
	s10 =	sadd.s32 s10, s11  }
0x29: {  	s12 =	sadd.s32 s12, s30;
	s11 =	sadd.s32 $0x2270, s2;
	[dreg:$0xf] =	wrdreg s9  }
0x2a: {  	[dreg:$0x10] =	wrdreg s10;
	s9 =	smul.u32 $0x280, s24;
	s10 =	sshrl.u32 s26, $0x3  }
0x2b: {  	[dreg:$0x13] =	wrdreg s12;
	s24 =	sadd.s32 $0x15, s0;
	s12 =	sadd.s32 s18, s23  }
0x2c: {  	s26 =	sadd.s32 $0x1D, s0;
	s18 =	sadd.s32 $0x1E, s0;
	s10 =	smul.u32 $0x280, s10  }
0x2d: {  	s25 =	sshrl.u32 s24, $0x3;
	[dreg:$0x18] =	wrdreg s12;
	s12 =	sadd.s32 s5, s23  }
0x2e: {  	s8 =	sshrl.u32 s18, $0x3;
	s9 =	sadd.s32 s9, s30;
	s3 =	smul.u32 $0x280, s25  }
0x2f: {  	[dreg:$0x1b] =	wrdreg s12;
	s8 =	smul.u32 $0x280, s8;
	s12 =	sadd.s32 s6, s11  }
0x30: {  	s6 =	sadd.s32 $0x7800, s16;
	[dreg:$0x14] =	wrdreg s9;
	s10 =	sadd.s32 s10, s30  }
0x31: {  	s9 =	smul.u32 $0x280, s20;
	s30 =	sshrl.u32 s26, $0x3;
	[smem:$0x7C4] =	sst s12  }
0x32: {  	s20 =	sadd.s32 s5, s14;
	s26 =	sadd.s32 $0x1F, s0;
	[dreg:$0x15] =	wrdreg s10  }
0x33: {  	s10 =	sshrl.u32 s22, $0x3;
	s3 =	sadd.s32 s3, s14;
	[smem:$0x7BD] =	sst s20  }
0x34: {  	s22 =	sadd.s32 $0x2260, s2;
	s9 =	sadd.s32 s9, s23;
	[dreg:$0x1d] =	wrdreg s3  }
0x35: {  	s20 =	sshll.u32 s15, $0x4;
	s7 =	sadd.s32 s7, s22;
	[dreg:$0x19] =	wrdreg s9  }
0x36: {  	s10 =	smul.u32 $0x280, s10;
	s3 =	sadd.s32 s17, s22;
	[smem:$0x7BE] =	sst s7  }
0x37: {  	s8 =	sadd.s32 s8, s22;
	s17 =	sshll.u32 s15, $0x7;
	[smem:$0x7BF] =	sst s3  }
0x38: {  	s15 =	sadd.s32 $0x8C00, s16;
	s9 =	smul.u32 $0x280, s30;
	[smem:$0x7C0] =	sst s8  }
0x39: {  	s7 =	sshrl.u32 s26, $0x3;
	s8 =	stileid.u32;
	s10 =	sadd.s32 s10, s23  }
0x3a: {  	s23 =	sadd.s32 $0x17, s0;
	s7 =	smul.u32 $0x280, s7;
	s0 =	sadd.s32 $0x27, s0  }
0x3b: {  	s8 =	sshll.u32 s8, $0xA;
	[dreg:$0x1a] =	wrdreg s10;
	s10 =	sshrl.u32 s13, $0x3  }
0x3c: {  	s9 =	sadd.s32 s9, s14;
	s24 =	sshrl.u32 s23, $0x3;
	s10 =	smul.u32 $0x280, s10  }
0x3d: {  	s0 =	sshrl.u32 s0, $0x3;
	s13 =	rddreg [dreg:$0x3];
	s25 =	smul.u32 $0x280, s24  }
0x3e: {  	[dreg:$0x1e] =	wrdreg s9;
	s9 =	sshrl.u32 s21, $0x3;
	s0 =	smul.u32 $0x280, s0  }
0x3f: {  	s23 =	sadd.s32 s13, s17;
	s19 =	sadd.s32 s10, s14;
	s10 =	rddreg [dreg:$0x0]  }
0x40: {  	s21 =	sshrl.u32 s16, $0x2;
	s3 =	sadd.s32 s25, s11;
	[dreg:$0x1f] =	wrdreg s19  }
0x41: {  	s9 =	smul.u32 $0x280, s9;
	s14 =	sadd.s32 s7, s11;
	[smem:$0x7C5] =	sst s3  }
0x42: {  	s24 =	sadd.s32 $0x6400, s16;
	s0 =	sadd.s32 s0, s11;
	[smem:$0x7C6] =	sst s14  }
0x43: {  	s7 =	sadd.s32 $0x8200, s16;
	s30 =	sadd.s32 s9, s22;
	[smem:$0x7C7] =	sst s0  }
0x44: {  	s9 =	sadd.s32 s5, s22;
	s5 =	sadd.s32 s5, s11;
	s0 =	rddreg [dreg:$0x4]  }
0x45: {  	s18 =	sadd.s32 s10, s17;
	s19 =	smul.u32 $0xA00, s4;
	[smem:$0x7C1] =	sst s30  }
0x46: {  	s22 =	sadd.s32 $0x5A00, s16;
	s10 =	sshrl.u32 s6, $0x2;
	[smem:$0x7C2] =	sst s9  }
0x47: {  	s12 =	sshrl.u32 s7, $0x2;
	s17 =	sadd.s32 $0x9600, s16;
	[smem:$0x7C3] =	sst s5  }
0x48: {  	s6 =	sadd.s32 $0x14A00, s16;
	[smem:$0x7C8] =	sst s18;
	s18 =	sadd.s32 s20, s2  }
0x49: {  	s11 =	sadd.s32 s21, s0;
	s26 =	sshrl.u32 s22, $0x2;
	s30 =	sshrl.u32 s24, $0x2  }
0x4a: {  	s5 =	sadd.s32 $0x6E00, s16;
	s13 =	sadd.s32 s10, s0;
	s14 =	sadd.s32 s12, s0  }
0x4b: {  	s21 =	sshrl.u32 s17, $0x2;
	s10 =	sadd.s32 $0xC800, s16;
	s12 =	sadd.s32 $0xD200, s16  }
0x4c: {  	s2 =	sadd.s32 $0x10E00, s16;
	s8 =	sadd.s32 s8, s0;
	_ =	strace $0x80000047  }
0x4d: {  	s3 =	sshrl.u32 s19, $0x2;
	s4 =	sadd.s32 s30, s0;
	[smem:$0x7E2] =	sst s13  }
0x4e: {  	[smem:$0x7E4] =	sst s14;
	s19 =	sadd.s32 $0xA000, s16;
	s24 =	sadd.s32 s21, s0  }
0x4f: {  	s30 =	sadd.s32 $0xB400, s16;
	s13 =	sadd.s32 $0xDC00, s16;
	[smem:$0x7D8] =	sst s11  }
0x50: {  	s21 =	sadd.s32 $0xE600, s16;
	s25 =	sadd.s32 s3, s0;
	[smem:$0x7DE] =	sst s4  }
0x51: {  	s3 =	sadd.s32 s26, s0;
	s22 =	sshrl.u32 s19, $0x2;
	[smem:$0x7E8] =	sst s24  }
0x52: {  	s26 =	sadd.s32 $0xAA00, s16;
	s7 =	sshrl.u32 s30, $0x2;
	s19 =	sshrl.u32 s12, $0x2  }
0x53: {  	s24 =	sadd.s32 $0xFA00, s16;
	s30 =	sadd.s32 $0x10400, s16;
	[smem:$0x7DA] =	sst s25  }
0x54: {  	s12 =	sadd.s32 $0x12C00, s16;
	[smem:$0x7DC] =	sst s3;
	s3 =	sshrl.u32 s5, $0x2  }
0x55: {  	s25 =	sadd.s32 s22, s0;
	s4 =	sshrl.u32 s26, $0x2;
	s14 =	sadd.s32 s7, s0  }
0x56: {  	s22 =	sadd.s32 $0xF000, s16;
	s26 =	sshrl.u32 s24, $0x2;
	s7 =	sshrl.u32 s2, $0x2  }
0x57: {  	s2 =	sshrl.u32 s12, $0x2;
	s5 =	sadd.s32 $0x14000, s16;
	s9 =	sadd.s32 s3, s0  }
0x58: {  	s3 =	sshrl.u32 s15, $0x2;
	[smem:$0x7EA] =	sst s25;
	s4 =	sadd.s32 s4, s0  }
0x59: {  	s25 =	sshrl.u32 s22, $0x2;
	s29 =	sadd.s32 s2, s0;
	s2 =	sadd.s32 $0x17200, s16  }
0x5a: {  	s14 =	sshrl.u32 s14, $0x3;
	[smem:$0x7E0] =	sst s9;
	s20 =	sadd.s32 s3, s0  }
0x5b: {  	s3 =	sadd.s32 $0xBE00, s16;
	[smem:$0x7EC] =	sst s4;
	s4 =	sshrl.u32 s10, $0x2  }
0x5c: {  	s22 =	sadd.s32 s25, s0;
	s25 =	sadd.s32 s7, s0;
	[smem:$0x7EE] =	sst s14  }
0x5d: {  	s10 =	sadd.s32 $0x12200, s16;
	s7 =	sadd.s32 $0x15400, s16;
	[smem:$0x7E6] =	sst s20  }
0x5e: {  	s9 =	sshrl.u32 s3, $0x2;
	s17 =	sadd.s32 s4, s0;
	s20 =	sshrl.u32 s13, $0x2  }
0x5f: {  	s4 =	sshrl.u32 s21, $0x2;
	s13 =	sadd.s32 s26, s0;
	s3 =	sadd.s32 $0x11800, s16  }
0x60: {  	s15 =	sadd.s32 s9, s0;
	s20 =	sadd.s32 s20, s0;
	s21 =	sadd.s32 s4, s0  }
0x61: {  	s4 =	sshrl.u32 s30, $0x2;
	s9 =	sshrl.u32 s3, $0x2;
	s30 =	sadd.s32 $0x13600, s16  }
0x62: {  	s17 =	sshrl.u32 s17, $0x3;
	s24 =	sadd.s32 s4, s0;
	s26 =	sadd.s32 s9, s0  }
0x63: {  	s4 =	sshrl.u32 s10, $0x2;
	s3 =	sshrl.u32 s30, $0x2;
	s9 =	sadd.s32 $0x15E00, s16  }
0x64: {  	s10 =	sadd.s32 $0x16800, s16;
	[smem:$0x7F0] =	sst s17;
	s14 =	sshrl.u32 s20, $0x3  }
0x65: {  	s17 =	sshrl.u32 s13, $0x3;
	s20 =	sshrl.u32 s25, $0x3;
	s28 =	sadd.s32 s4, s0  }
0x66: {  	s30 =	sadd.s32 s3, s0;
	s4 =	sshrl.u32 s5, $0x2;
	s5 =	sshrl.u32 s6, $0x2  }
0x67: {  	s6 =	sshrl.u32 s7, $0x2;
	s7 =	sshrl.u32 s10, $0x2;
	[smem:$0x7F2] =	sst s14  }
0x68: {  	s3 =	sadd.s32 $0x17C00, s16;
	s16 =	sadd.s32 $0x18600, s16;
	[smem:$0x7F5] =	sst s17  }
0x69: {  	[smem:$0x7F7] =	sst s20;
	s12 =	sadd.s32 s6, s0;
	s6 =	sshrl.u32 s9, $0x2  }
0x6a: {  	s10 =	sshrl.u32 s3, $0x2;
	s16 =	sshrl.u32 s16, $0x2;
	s25 =	sshrl.u32 s30, $0x3  }
0x6b: {  	s30 =	sld [smem:$0x7FD];
	s3 =	sadd.s32 s16, s0;
	s16 =	sadd.s32 $0x1E00, s18  }
0x6c: {  	s9 =	sshrl.u32 s2, $0x2;
	[smem:$0x7C9] =	sst s16;
	s16 =	sadd.s32 $0x80, s8  }
0x6d: {  	s2 =	sadd.s32 $0x100, s8;
	s18 =	sld [smem:$0x7CA];
	s16 =	sshrl.u32 s16, $0x3  }
0x6e: {  	[smem:$0x7CB] =	sst s16;
	s16 =	sshrl.u32 s2, $0x3  }
0x6f: {  	[smem:$0x7CC] =	sst s16;
	s16 =	sadd.s32 $0x180, s8  }
0x70: {  	[smem:$0x7FB] =	sst s25;
	s2 =	sadd.s32 $0x200, s8;
	s16 =	sshrl.u32 s16, $0x3  }
0x71: {  	s2 =	sshrl.u32 s2, $0x3;
	[smem:$0x7CD] =	sst s16;
	s16 =	sadd.s32 $0x280, s8  }
0x72: {  	[smem:$0x7CE] =	sst s2;
	s2 =	sshrl.u32 s16, $0x3;
	s16 =	sadd.s32 $0x380, s8  }
0x73: {  	[smem:$0x7CF] =	sst s2;
	s2 =	sadd.s32 $0x300, s8;
	s16 =	sshrl.u32 s16, $0x3  }
0x74: {  	s2 =	sshrl.u32 s2, $0x3;
	[smem:$0x7D1] =	sst s16;
	s16 =	sadd.s32 $0x280, s11  }
0x75: {  	[smem:$0x7D0] =	sst s2;
	s2 =	sshrl.u32 s16, $0x3;
	s16 =	sadd.s32 $0x780, s11  }
0x76: {  	[smem:$0x7D2] =	sst s2;
	s2 =	sadd.s32 $0x500, s11;
	s16 =	sshrl.u32 s16, $0x3  }
0x77: {  	s2 =	sshrl.u32 s2, $0x3;
	[smem:$0x7D4] =	sst s16;
	s16 =	sadd.s32 $0xA00, s11  }
0x78: {  	[smem:$0x7D3] =	sst s2;
	s2 =	sshrl.u32 s16, $0x3;
	s16 =	sadd.s32 $0xF00, s11  }
0x79: {  	[smem:$0x7D5] =	sst s2;
	s16 =	sshrl.u32 s16, $0x3  }
0x7a: {  	s2 =	sadd.s32 $0xC80, s11;
	[smem:$0x7D7] =	sst s16  }
0x7b: {  	s2 =	sshrl.u32 s2, $0x3;
	s16 =	sld [smem:$0x7DA]  }
0x7c: {  	s11 =	sadd.s32 $0x1180, s11;
	[smem:$0x7D6] =	sst s2  }
0x7d: {  	s2 =	sshrl.u32 s11, $0x3;
	s11 =	sld [smem:$0x7DC]  }
0x7e: {  	[smem:$0x7D9] =	sst s2  }
0x7f: {  	s2 =	sshrl.u32 s16, $0x3;
	s16 =	sld [smem:$0x7DE]  }
0x80: {  	[smem:$0x7DB] =	sst s2  }
0x81: {  	s2 =	sshrl.u32 s11, $0x3;
	s11 =	sld [smem:$0x7E0]  }
0x82: {  	[smem:$0x7DD] =	sst s2  }
0x83: {  	s2 =	sshrl.u32 s16, $0x3;
	s16 =	sld [smem:$0x7E2]  }
0x84: {  	[smem:$0x7DF] =	sst s2  }
0x85: {  	s19 =	sadd.s32 s19, s0;
	s2 =	sshrl.u32 s11, $0x3;
	s11 =	sld [smem:$0x7E4]  }
0x86: {  	s13 =	sadd.s32 $0x10, s23;
	s17 =	sadd.s32 $0x20, s23;
	[smem:$0x7E1] =	sst s2  }
0x87: {  	s20 =	sadd.s32 $0x40, s23;
	s2 =	sshrl.u32 s16, $0x3;
	s16 =	sld [smem:$0x7E6]  }
0x88: {  	s4 =	sadd.s32 s4, s0;
	s5 =	sadd.s32 s5, s0;
	[smem:$0x7E3] =	sst s2  }
0x89: {  	s7 =	sadd.s32 s7, s0;
	s2 =	sshrl.u32 s11, $0x3;
	s11 =	sld [smem:$0x7E8]  }
0x8a: {  	s6 =	sadd.s32 s6, s0;
	s9 =	sadd.s32 s9, s0;
	[smem:$0x7E5] =	sst s2  }
0x8b: {  	s10 =	sadd.s32 s10, s0;
	s2 =	sshrl.u32 s16, $0x3;
	s16 =	sld [smem:$0x7EA]  }
0x8c: {  	s5 =	sshrl.u32 s5, $0x3;
	s14 =	sshrl.u32 s12, $0x3;
	[smem:$0x7E7] =	sst s2  }
0x8d: {  	s7 =	sshrl.u32 s7, $0x3;
	s2 =	sshrl.u32 s11, $0x3;
	s11 =	sld [smem:$0x7EC]  }
0x8e: {  	s25 =	simm.s32 $0x2;
	[smem:$0x7E9] =	sst s2;
	s2 =	sshrl.u32 s16, $0x3  }
0x8f: {  	s6 =	sshrl.u32 s6, $0x3;
	s16 =	sshrl.u32 s15, $0x3;
	[smem:$0x7EB] =	sst s2  }
0x90: {  	s9 =	sshrl.u32 s9, $0x3;
	s15 =	sshrl.u32 s21, $0x3;
	[smem:$0x7EF] =	sst s16  }
0x91: {  	s10 =	sshrl.u32 s10, $0x3;
	s21 =	sshrl.u32 s26, $0x3;
	[smem:$0x7F3] =	sst s15  }
0x92: {  	s12 =	sadd.s32 $0xA00, s30;
	s26 =	sshrl.u32 s4, $0x3;
	[smem:$0x7F8] =	sst s21  }
0x93: {  	s18 =	smax.u32 s18, $0x1;
	s2 =	sshrl.u32 s11, $0x3;
	[smem:$0x7FC] =	sst s26  }
0x94: {  	s4 =	smov.u32 s23;
	s11 =	sshrl.u32 s19, $0x3;
	[smem:$0x7ED] =	sst s2  }
0x95: {  	s16 =	sshrl.u32 s22, $0x3;
	s19 =	sshrl.u32 s24, $0x3;
	[smem:$0x7F1] =	sst s11  }
0x96: {  	s22 =	sshrl.u32 s28, $0x3;
	s24 =	sshrl.u32 s29, $0x3;
	[smem:$0x7F4] =	sst s16  }
.Ltmp0:
0x97: {  	s15 =	sadd.s32 $0x500, s30;
	[smem:$0x7F6] =	sst s19;
	(pc) =	sbr.rel .LBB2_1-.Ltmp0, $4  }
0x98: {  	s21 =	sadd.s32 $0x50, s23;
	s26 =	simm.s32 $0x1;
	[smem:$0x7F9] =	sst s22  }
0x99: {  	s28 =	simm.s32 $0x80;
	s29 =	simm.s32 $0x10;
	[smem:$0x7FA] =	sst s24  }
0x9a: {  	s11 =	sshrl.u32 s3, $0x3;
	s2 =	smov.u32 s30;
	s19 =	sadd.s32 $0x30, s23  }
0x9b: {  	s22 =	sadd.s32 $0x60, s23;
	s23 =	sadd.s32 $0x70, s23;
	s24 =	simm.s32 $0x400  }
.LBB2_3:
0x9c: {  	s3 =	sld [smem:$0x7C9];
	_ =	sdelay $0x2  }
0x9d: {  	[tilespmem:s1], [sflag:$0x1] =	stream.linear.gather [hbm4b:s3+s1], $0x80, $0x38;
	[tilespmem:$0x6880] =	vst v63  }
0x9e: {  	s16 =	sshrl.u32 s8, $0x3;
	s3 =	rddreg [dreg:$0x2]  }
0x9f: {  	[spmem:s16], [sflag:s30] =	dma.local [hbm:s3], $0x80  }
0xa0: {  	_ =	swait.ge [sflag:s26], $0x80  }
0xa1: {  	[sflag:s26] =	ssyncset.done $0x0  }
0xa2: {  	[sflag:s26] =	ssyncadd.s32 $0xFFFFFF80  }
0xa3: {  	_ =	swait.ge [sflag:s26], $0x80  }
0xa4: {  	[sflag:s26] =	ssyncset.done $0x0  }
0xa5: {  	[sflag:s26] =	ssyncadd.s32 $0xFFFFFF80  }
0xa6: {  	[bflag:$0x0] =	sbarrier.arrive $0xFFFF  }
0xa7: {  	[spmem:s0] =	stream.indirect.scatter.add.f32 [tilespmem:s24], [sflag:$0x1], $0x1, s1, s28, $0xb8;
	[tilespmem:$0x6880] =	vst v63  }
0xa8: {  	_ =	swait.ge [sflag:s26], $0x80  }
0xa9: {  	[sflag:s26] =	ssyncset.done $0x0  }
0xaa: {  	[sflag:s26] =	ssyncadd.s32 $0xFFFFFF80  }
0xab: {  	[bflag:$0x0] =	sbarrier.arrive $0xFFFF  }
0xac: {  	[hbm:s4], [sflag:s30] =	dma.local [spmem:s16], $0x10  }
0xad: {  	s16 =	sld [smem:$0x7CB];
	_ =	sdelay $0x2  }
0xae: {  	[hbm:s13], [sflag:s30] =	dma.local [spmem:s16], $0x10  }
0xaf: {  	s3 =	sld [smem:$0x7CC];
	_ =	sdelay $0x2  }
0xb0: {  	[hbm:s17], [sflag:s30] =	dma.local [spmem:s3], $0x10  }
0xb1: {  	s3 =	sld [smem:$0x7CD];
	_ =	sdelay $0x2  }
0xb2: {  	[hbm:s19], [sflag:s30] =	dma.local [spmem:s3], $0x10  }
0xb3: {  	s3 =	sld [smem:$0x7CE];
	_ =	sdelay $0x2  }
0xb4: {  	[hbm:s20], [sflag:s30] =	dma.local [spmem:s3], $0x10  }
0xb5: {  	s3 =	sld [smem:$0x7CF];
	_ =	sdelay $0x2  }
0xb6: {  	[hbm:s21], [sflag:s30] =	dma.local [spmem:s3], $0x10  }
0xb7: {  	s3 =	sld [smem:$0x7D0];
	_ =	sdelay $0x2  }
0xb8: {  	[hbm:s22], [sflag:s30] =	dma.local [spmem:s3], $0x10  }
0xb9: {  	s3 =	sld [smem:$0x7D1];
	_ =	sdelay $0x2  }
0xba: {  	[hbm:s23], [sflag:s30] =	dma.local [spmem:s3], $0x10  }
0xbb: {  	_ =	swait.ge [sflag:s26], $0x10  }
0xbc: {  	[sflag:s26] =	ssyncset.done $0x0  }
0xbd: {  	[sflag:s26] =	ssyncadd.s32 $0xFFFFFFF0  }
0xbe: {  	_ =	swait.ge [sflag:s26], $0x10  }
0xbf: {  	[sflag:s26] =	ssyncset.done $0x0  }
0xc0: {  	[sflag:s26] =	ssyncadd.s32 $0xFFFFFFF0  }
0xc1: {  	_ =	swait.ge [sflag:s26], $0x10  }
0xc2: {  	[sflag:s26] =	ssyncset.done $0x0  }
0xc3: {  	[sflag:s26] =	ssyncadd.s32 $0xFFFFFFF0  }
0xc4: {  	_ =	swait.ge [sflag:s26], $0x10  }
0xc5: {  	[sflag:s26] =	ssyncset.done $0x0  }
0xc6: {  	[sflag:s26] =	ssyncadd.s32 $0xFFFFFFF0  }
0xc7: {  	_ =	swait.ge [sflag:s26], $0x10  }
0xc8: {  	[sflag:s26] =	ssyncset.done $0x0  }
0xc9: {  	[sflag:s26] =	ssyncadd.s32 $0xFFFFFFF0  }
0xca: {  	_ =	swait.ge [sflag:s26], $0x10  }
0xcb: {  	[sflag:s26] =	ssyncset.done $0x0  }
0xcc: {  	[sflag:s26] =	ssyncadd.s32 $0xFFFFFFF0  }
0xcd: {  	_ =	swait.ge [sflag:s26], $0x10  }
0xce: {  	[sflag:s26] =	ssyncset.done $0x0  }
0xcf: {  	[sflag:s26] =	ssyncadd.s32 $0xFFFFFFF0  }
0xd0: {  	_ =	swait.ge [sflag:s26], $0x10  }
0xd1: {  	[sflag:s26] =	ssyncset.done $0x0  }
0xd2: {  	[sflag:s26] =	ssyncadd.s32 $0xFFFFFFF0  }
.LBB2_4:
0xd3: {  	s18 =	sadd.s32 $0xFFFFFFFF, s18  }
0xd4: {  	p1 =	sne.s32 s18, $0x0  }
.Ltmp1:
0xd5: {  	_ = 	snop;
	(pc) =	sbr.rel @!p1 .LBB2_5-.Ltmp1, $1  }
0xd6: {  	_ =	sdelay $0x3  }
.LBB2_1:
.Ltmp2:
0xd7: {  	(pc) =	sbr.rel @p0 .LBB2_3-.Ltmp2, $4  }
0xd8: {  	[tilespmem:s24], [sflag:$0x2] =	stream.linear.gather [hbm4b:s31+s1], $0x80, $0x38;
	[tilespmem:$0x6880] =	vst v63  }
0xd9: {  	s16 =	stileid.u32;
	_ =	swait.ge [sflag:s25], $0x80  }
0xda: {  	s30 =	sshll.u32 s16, $0x6;
	[sflag:s25] =	ssyncset.done $0x0  }
0xdb: {  	s30 =	sor.u32 $0x1C01, s30;
	[sflag:s25] =	ssyncadd.s32 $0xFFFFFF80  }
0xdc: {  	s3 =	sld [smem:$0x7C8]  }
0xdd: {  	s16 =	sld [smem:$0x7D8];
	_ =	sdelay $0x1  }
0xde: {  	[tilespmem:s1], [sflag:$0x1] =	stream.linear.gather [hbm4b:s3+s1], $0x300, $0x38;
	[tilespmem:$0x6880] =	vst v63  }
0xdf: {  	s16 =	sshrl.u32 s16, $0x3;
	s3 =	rddreg [dreg:$0x2]  }
0xe0: {  	[spmem:s16], [sflag:s30] =	dma.local [hbm:s3], $0xC80  }
0xe1: {  	_ =	swait.ge [sflag:s26], $0x300  }
0xe2: {  	[sflag:s26] =	ssyncset.done $0x0  }
0xe3: {  	[sflag:s26] =	ssyncadd.s32 $0xFFFFFD00  }
0xe4: {  	_ =	swait.ge [sflag:s26], $0xC80  }
0xe5: {  	[sflag:s26] =	ssyncset.done $0x0  }
0xe6: {  	[sflag:s26] =	ssyncadd.s32 $0xFFFFF380  }
0xe7: {  	[bflag:$0x0] =	sbarrier.arrive $0xFFFF  }
0xe8: {  	[spmem:s0] =	stream.indirect.scatter.add.f32 [tilespmem:s24], [sflag:$0x1], $0x1, s1, s28, $0xb8;
	[tilespmem:$0x6880] =	vst v63  }
0xe9: {  	_ = 	snop  }
0xea: {  	[spmem:s0] =	stream.indirect.scatter.add.f32 [tilespmem:s24], [sflag:$0x1], $0x1, s28, s28, $0xb8;
	[tilespmem:$0x6880] =	vst v63  }
0xeb: {  	s3 =	simm.s32 $0x100  }
0xec: {  	[spmem:s0] =	stream.indirect.scatter.add.f32 [tilespmem:s24], [sflag:$0x1], $0x1, s3, s28, $0xb8;
	[tilespmem:$0x6880] =	vst v63  }
0xed: {  	s3 =	simm.s32 $0x180  }
0xee: {  	[spmem:s0] =	stream.indirect.scatter.add.f32 [tilespmem:s24], [sflag:$0x1], $0x1, s3, s28, $0xb8;
	[tilespmem:$0x6880] =	vst v63  }
0xef: {  	s3 =	simm.s32 $0x200  }
0xf0: {  	[spmem:s0] =	stream.indirect.scatter.add.f32 [tilespmem:s24], [sflag:$0x1], $0x1, s3, s28, $0xb8;
	[tilespmem:$0x6880] =	vst v63  }
0xf1: {  	s3 =	simm.s32 $0x280  }
0xf2: {  	[spmem:s0] =	stream.indirect.scatter.add.f32 [tilespmem:s24], [sflag:$0x1], $0x1, s3, s28, $0xb8;
	[tilespmem:$0x6880] =	vst v63  }
0xf3: {  	_ =	swait.ge [sflag:s26], $0x80  }
0xf4: {  	[sflag:s26] =	ssyncset.done $0x0  }
0xf5: {  	[sflag:s26] =	ssyncadd.s32 $0xFFFFFF80  }
0xf6: {  	_ =	swait.ge [sflag:s26], $0x80  }
0xf7: {  	[sflag:s26] =	ssyncset.done $0x0  }
0xf8: {  	[sflag:s26] =	ssyncadd.s32 $0xFFFFFF80  }
0xf9: {  	_ =	swait.ge [sflag:s26], $0x80  }
0xfa: {  	[sflag:s26] =	ssyncset.done $0x0  }
0xfb: {  	[sflag:s26] =	ssyncadd.s32 $0xFFFFFF80  }
0xfc: {  	_ =	swait.ge [sflag:s26], $0x80  }
0xfd: {  	[sflag:s26] =	ssyncset.done $0x0  }
0xfe: {  	[sflag:s26] =	ssyncadd.s32 $0xFFFFFF80  }
0xff: {  	_ =	swait.ge [sflag:s26], $0x80  }
0x100: {  	[sflag:s26] =	ssyncset.done $0x0  }
0x101: {  	[sflag:s26] =	ssyncadd.s32 $0xFFFFFF80  }
0x102: {  	_ =	swait.ge [sflag:s26], $0x80  }
0x103: {  	[sflag:s26] =	ssyncset.done $0x0  }
0x104: {  	[sflag:s26] =	ssyncadd.s32 $0xFFFFFF80  }
0x105: {  	[bflag:$0x0] =	sbarrier.arrive $0xFFFF  }
0x106: {  	[hbm:s2@s28], [sflag:s30] =	dma.strided [spmem:s16@s29], $0x50, s26, $0x10   }
0x107: {  	s3 =	sld [smem:$0x7D2];
	_ =	sdelay $0x1  }
0x108: {  	s16 =	rddreg [dreg:$0x6]  }
0x109: {  	[hbm:s16@s28], [sflag:s30] =	dma.strided [spmem:s3@s29], $0x50, s26, $0x10   }
0x10a: {  	s3 =	sld [smem:$0x7D3];
	_ =	sdelay $0x1  }
0x10b: {  	s16 =	rddreg [dreg:$0x11]  }
0x10c: {  	[hbm:s16@s28], [sflag:s30] =	dma.strided [spmem:s3@s29], $0x50, s26, $0x10   }
0x10d: {  	s3 =	sld [smem:$0x7D4];
	_ =	sdelay $0x1  }
0x10e: {  	s16 =	rddreg [dreg:$0x16]  }
0x10f: {  	[hbm:s16@s28], [sflag:s30] =	dma.strided [spmem:s3@s29], $0x50, s26, $0x10   }
0x110: {  	s3 =	sld [smem:$0x7D5];
	_ =	sdelay $0x1  }
0x111: {  	s16 =	rddreg [dreg:$0x1b]  }
0x112: {  	[hbm:s16@s28], [sflag:s30] =	dma.strided [spmem:s3@s29], $0x50, s26, $0x10   }
0x113: {  	s16 =	sld [smem:$0x7BD]  }
0x114: {  	s3 =	sld [smem:$0x7D6];
	_ =	sdelay $0x2  }
0x115: {  	[hbm:s16@s28], [sflag:s30] =	dma.strided [spmem:s3@s29], $0x50, s26, $0x10   }
0x116: {  	s16 =	sld [smem:$0x7C2]  }
0x117: {  	s3 =	sld [smem:$0x7D7];
	_ =	sdelay $0x2  }
0x118: {  	[hbm:s16@s28], [sflag:s30] =	dma.strided [spmem:s3@s29], $0x50, s26, $0x10   }
0x119: {  	s16 =	sld [smem:$0x7C3]  }
0x11a: {  	s3 =	sld [smem:$0x7D9];
	_ =	sdelay $0x2  }
0x11b: {  	[hbm:s16@s28], [sflag:s30] =	dma.strided [spmem:s3@s29], $0x50, s26, $0x10   }
0x11c: {  	s3 =	sld [smem:$0x7DB];
	_ =	sdelay $0x1  }
0x11d: {  	s16 =	rddreg [dreg:$0x7]  }
0x11e: {  	[hbm:s16@s28], [sflag:s30] =	dma.strided [spmem:s3@s29], $0x50, s26, $0x10   }
0x11f: {  	s3 =	sld [smem:$0x7DD];
	_ =	sdelay $0x1  }
0x120: {  	s16 =	rddreg [dreg:$0x8]  }
0x121: {  	[hbm:s16@s28], [sflag:s30] =	dma.strided [spmem:s3@s29], $0x50, s26, $0x10   }
0x122: {  	s3 =	sld [smem:$0x7DF];
	_ =	sdelay $0x1  }
0x123: {  	s16 =	rddreg [dreg:$0xd]  }
0x124: {  	[hbm:s16@s28], [sflag:s30] =	dma.strided [spmem:s3@s29], $0x50, s26, $0x10   }
0x125: {  	s3 =	sld [smem:$0x7E1];
	_ =	sdelay $0x1  }
0x126: {  	s16 =	rddreg [dreg:$0x12]  }
0x127: {  	[hbm:s16@s28], [sflag:s30] =	dma.strided [spmem:s3@s29], $0x50, s26, $0x10   }
0x128: {  	s3 =	sld [smem:$0x7E3];
	_ =	sdelay $0x1  }
0x129: {  	s16 =	rddreg [dreg:$0x17]  }
0x12a: {  	[hbm:s16@s28], [sflag:s30] =	dma.strided [spmem:s3@s29], $0x50, s26, $0x10   }
0x12b: {  	s3 =	sld [smem:$0x7E5];
	_ =	sdelay $0x1  }
0x12c: {  	s16 =	rddreg [dreg:$0x1c]  }
0x12d: {  	[hbm:s16@s28], [sflag:s30] =	dma.strided [spmem:s3@s29], $0x50, s26, $0x10   }
0x12e: {  	s16 =	sld [smem:$0x7BE]  }
0x12f: {  	s3 =	sld [smem:$0x7E7];
	_ =	sdelay $0x2  }
0x130: {  	[hbm:s16@s28], [sflag:s30] =	dma.strided [spmem:s3@s29], $0x50, s26, $0x10   }
0x131: {  	s3 =	sld [smem:$0x7C4]  }
0x132: {  	s16 =	sld [smem:$0x7E9];
	_ =	sdelay $0x2  }
0x133: {  	[hbm:s3@s28], [sflag:s30] =	dma.strided [spmem:s16@s29], $0x50, s26, $0x10   }
0x134: {  	s3 =	sld [smem:$0x7EB];
	_ =	sdelay $0x2  }
0x135: {  	[hbm:s15@s28], [sflag:s30] =	dma.strided [spmem:s3@s29], $0x50, s26, $0x10   }
0x136: {  	s3 =	sld [smem:$0x7ED];
	_ =	sdelay $0x1  }
0x137: {  	s16 =	rddreg [dreg:$0x9]  }
0x138: {  	[hbm:s16@s28], [sflag:s30] =	dma.strided [spmem:s3@s29], $0x50, s26, $0x10   }
0x139: {  	s3 =	sld [smem:$0x7EE];
	_ =	sdelay $0x1  }
0x13a: {  	s16 =	rddreg [dreg:$0xe]  }
0x13b: {  	[hbm:s16@s28], [sflag:s30] =	dma.strided [spmem:s3@s29], $0x50, s26, $0x10   }
0x13c: {  	s3 =	sld [smem:$0x7EF];
	_ =	sdelay $0x1  }
0x13d: {  	s16 =	rddreg [dreg:$0x13]  }
0x13e: {  	[hbm:s16@s28], [sflag:s30] =	dma.strided [spmem:s3@s29], $0x50, s26, $0x10   }
0x13f: {  	s3 =	sld [smem:$0x7F0];
	_ =	sdelay $0x1  }
0x140: {  	s16 =	rddreg [dreg:$0x18]  }
0x141: {  	[hbm:s16@s28], [sflag:s30] =	dma.strided [spmem:s3@s29], $0x50, s26, $0x10   }
0x142: {  	s3 =	sld [smem:$0x7F1];
	_ =	sdelay $0x1  }
0x143: {  	s16 =	rddreg [dreg:$0x1d]  }
0x144: {  	[hbm:s16@s28], [sflag:s30] =	dma.strided [spmem:s3@s29], $0x50, s26, $0x10   }
0x145: {  	s16 =	sld [smem:$0x7BF]  }
0x146: {  	s3 =	sld [smem:$0x7F2];
	_ =	sdelay $0x2  }
0x147: {  	[hbm:s16@s28], [sflag:s30] =	dma.strided [spmem:s3@s29], $0x50, s26, $0x10   }
0x148: {  	s3 =	sld [smem:$0x7C5]  }
0x149: {  	s16 =	sld [smem:$0x7F3];
	_ =	sdelay $0x2  }
0x14a: {  	[hbm:s3@s28], [sflag:s30] =	dma.strided [spmem:s16@s29], $0x50, s26, $0x10   }
0x14b: {  	s3 =	sld [smem:$0x7F4];
	_ =	sdelay $0x1  }
0x14c: {  	s16 =	rddreg [dreg:$0xa]  }
0x14d: {  	[hbm:s16@s28], [sflag:s30] =	dma.strided [spmem:s3@s29], $0x50, s26, $0x10   }
0x14e: {  	s3 =	sld [smem:$0x7F5];
	_ =	sdelay $0x1  }
0x14f: {  	s16 =	rddreg [dreg:$0xb]  }
0x150: {  	[hbm:s16@s28], [sflag:s30] =	dma.strided [spmem:s3@s29], $0x50, s26, $0x10   }
0x151: {  	s3 =	sld [smem:$0x7F6];
	_ =	sdelay $0x1  }
0x152: {  	s16 =	rddreg [dreg:$0xf]  }
0x153: {  	[hbm:s16@s28], [sflag:s30] =	dma.strided [spmem:s3@s29], $0x50, s26, $0x10   }
0x154: {  	s3 =	sld [smem:$0x7F7];
	_ =	sdelay $0x1  }
0x155: {  	s16 =	rddreg [dreg:$0x14]  }
0x156: {  	[hbm:s16@s28], [sflag:s30] =	dma.strided [spmem:s3@s29], $0x50, s26, $0x10   }
0x157: {  	s3 =	sld [smem:$0x7F8];
	_ =	sdelay $0x1  }
0x158: {  	s16 =	rddreg [dreg:$0x19]  }
0x159: {  	[hbm:s16@s28], [sflag:s30] =	dma.strided [spmem:s3@s29], $0x50, s26, $0x10   }
0x15a: {  	s3 =	sld [smem:$0x7F9];
	_ =	sdelay $0x1  }
0x15b: {  	s16 =	rddreg [dreg:$0x1e]  }
0x15c: {  	[hbm:s16@s28], [sflag:s30] =	dma.strided [spmem:s3@s29], $0x50, s26, $0x10   }
0x15d: {  	s16 =	sld [smem:$0x7C0]  }
0x15e: {  	s3 =	sld [smem:$0x7FA];
	_ =	sdelay $0x2  }
0x15f: {  	[hbm:s16@s28], [sflag:s30] =	dma.strided [spmem:s3@s29], $0x50, s26, $0x10   }
0x160: {  	s3 =	sld [smem:$0x7C6]  }
0x161: {  	s16 =	sld [smem:$0x7FB];
	_ =	sdelay $0x2  }
0x162: {  	[hbm:s3@s28], [sflag:s30] =	dma.strided [spmem:s16@s29], $0x50, s26, $0x10   }
0x163: {  	s3 =	sld [smem:$0x7FC];
	_ =	sdelay $0x2  }
0x164: {  	[hbm:s12@s28], [sflag:s30] =	dma.strided [spmem:s3@s29], $0x50, s26, $0x10   }
0x165: {  	s3 =	rddreg [dreg:$0xc]  }
0x166: {  	[hbm:s3@s28], [sflag:s30] =	dma.strided [spmem:s5@s29], $0x50, s26, $0x10   }
0x167: {  	s16 =	rddreg [dreg:$0x10]  }
0x168: {  	[hbm:s16@s28], [sflag:s30] =	dma.strided [spmem:s14@s29], $0x50, s26, $0x10   }
0x169: {  	s16 =	rddreg [dreg:$0x15]  }
0x16a: {  	[hbm:s16@s28], [sflag:s30] =	dma.strided [spmem:s6@s29], $0x50, s26, $0x10   }
0x16b: {  	s16 =	rddreg [dreg:$0x1a]  }
0x16c: {  	[hbm:s16@s28], [sflag:s30] =	dma.strided [spmem:s7@s29], $0x50, s26, $0x10   }
0x16d: {  	s16 =	rddreg [dreg:$0x1f]  }
0x16e: {  	[hbm:s16@s28], [sflag:s30] =	dma.strided [spmem:s9@s29], $0x50, s26, $0x10   }
0x16f: {  	s16 =	sld [smem:$0x7C1];
	_ =	sdelay $0x2  }
0x170: {  	[hbm:s16@s28], [sflag:s30] =	dma.strided [spmem:s10@s29], $0x50, s26, $0x10   }
0x171: {  	s16 =	sld [smem:$0x7C7];
	_ =	sdelay $0x2  }
0x172: {  	[hbm:s16@s28], [sflag:s30] =	dma.strided [spmem:s11@s29], $0x50, s26, $0x10   }
0x173: {  	_ =	swait.ge [sflag:s26], $0x50  }
0x174: {  	[sflag:s26] =	ssyncset.done $0x0  }
0x175: {  	[sflag:s26] =	ssyncadd.s32 $0xFFFFFFB0  }
0x176: {  	_ =	swait.ge [sflag:s26], $0x50  }
0x177: {  	[sflag:s26] =	ssyncset.done $0x0  }
0x178: {  	[sflag:s26] =	ssyncadd.s32 $0xFFFFFFB0  }
0x179: {  	_ =	swait.ge [sflag:s26], $0x50  }
0x17a: {  	[sflag:s26] =	ssyncset.done $0x0  }
0x17b: {  	[sflag:s26] =	ssyncadd.s32 $0xFFFFFFB0  }
0x17c: {  	_ =	swait.ge [sflag:s26], $0x50  }
0x17d: {  	[sflag:s26] =	ssyncset.done $0x0  }
0x17e: {  	[sflag:s26] =	ssyncadd.s32 $0xFFFFFFB0  }
0x17f: {  	_ =	swait.ge [sflag:s26], $0x50  }
0x180: {  	[sflag:s26] =	ssyncset.done $0x0  }
0x181: {  	[sflag:s26] =	ssyncadd.s32 $0xFFFFFFB0  }
0x182: {  	_ =	swait.ge [sflag:s26], $0x50  }
0x183: {  	[sflag:s26] =	ssyncset.done $0x0  }
0x184: {  	[sflag:s26] =	ssyncadd.s32 $0xFFFFFFB0  }
0x185: {  	_ =	swait.ge [sflag:s26], $0x50  }
0x186: {  	[sflag:s26] =	ssyncset.done $0x0  }
0x187: {  	[sflag:s26] =	ssyncadd.s32 $0xFFFFFFB0  }
0x188: {  	_ =	swait.ge [sflag:s26], $0x50  }
0x189: {  	[sflag:s26] =	ssyncset.done $0x0  }
0x18a: {  	[sflag:s26] =	ssyncadd.s32 $0xFFFFFFB0  }
0x18b: {  	_ =	swait.ge [sflag:s26], $0x50  }
0x18c: {  	[sflag:s26] =	ssyncset.done $0x0  }
0x18d: {  	[sflag:s26] =	ssyncadd.s32 $0xFFFFFFB0  }
0x18e: {  	_ =	swait.ge [sflag:s26], $0x50  }
0x18f: {  	[sflag:s26] =	ssyncset.done $0x0  }
0x190: {  	[sflag:s26] =	ssyncadd.s32 $0xFFFFFFB0  }
0x191: {  	_ =	swait.ge [sflag:s26], $0x50  }
0x192: {  	[sflag:s26] =	ssyncset.done $0x0  }
0x193: {  	[sflag:s26] =	ssyncadd.s32 $0xFFFFFFB0  }
0x194: {  	_ =	swait.ge [sflag:s26], $0x50  }
0x195: {  	[sflag:s26] =	ssyncset.done $0x0  }
0x196: {  	[sflag:s26] =	ssyncadd.s32 $0xFFFFFFB0  }
0x197: {  	_ =	swait.ge [sflag:s26], $0x50  }
0x198: {  	[sflag:s26] =	ssyncset.done $0x0  }
0x199: {  	[sflag:s26] =	ssyncadd.s32 $0xFFFFFFB0  }
0x19a: {  	_ =	swait.ge [sflag:s26], $0x50  }
0x19b: {  	[sflag:s26] =	ssyncset.done $0x0  }
0x19c: {  	[sflag:s26] =	ssyncadd.s32 $0xFFFFFFB0  }
0x19d: {  	_ =	swait.ge [sflag:s26], $0x50  }
0x19e: {  	[sflag:s26] =	ssyncset.done $0x0  }
0x19f: {  	[sflag:s26] =	ssyncadd.s32 $0xFFFFFFB0  }
0x1a0: {  	_ =	swait.ge [sflag:s26], $0x50  }
0x1a1: {  	[sflag:s26] =	ssyncset.done $0x0  }
0x1a2: {  	[sflag:s26] =	ssyncadd.s32 $0xFFFFFFB0  }
0x1a3: {  	_ =	swait.ge [sflag:s26], $0x50  }
0x1a4: {  	[sflag:s26] =	ssyncset.done $0x0  }
0x1a5: {  	[sflag:s26] =	ssyncadd.s32 $0xFFFFFFB0  }
0x1a6: {  	_ =	swait.ge [sflag:s26], $0x50  }
0x1a7: {  	[sflag:s26] =	ssyncset.done $0x0  }
0x1a8: {  	[sflag:s26] =	ssyncadd.s32 $0xFFFFFFB0  }
0x1a9: {  	_ =	swait.ge [sflag:s26], $0x50  }
0x1aa: {  	[sflag:s26] =	ssyncset.done $0x0  }
0x1ab: {  	[sflag:s26] =	ssyncadd.s32 $0xFFFFFFB0  }
0x1ac: {  	_ =	swait.ge [sflag:s26], $0x50  }
0x1ad: {  	[sflag:s26] =	ssyncset.done $0x0  }
0x1ae: {  	[sflag:s26] =	ssyncadd.s32 $0xFFFFFFB0  }
0x1af: {  	_ =	swait.ge [sflag:s26], $0x50  }
0x1b0: {  	[sflag:s26] =	ssyncset.done $0x0  }
0x1b1: {  	[sflag:s26] =	ssyncadd.s32 $0xFFFFFFB0  }
0x1b2: {  	_ =	swait.ge [sflag:s26], $0x50  }
0x1b3: {  	[sflag:s26] =	ssyncset.done $0x0  }
0x1b4: {  	[sflag:s26] =	ssyncadd.s32 $0xFFFFFFB0  }
0x1b5: {  	_ =	swait.ge [sflag:s26], $0x50  }
0x1b6: {  	[sflag:s26] =	ssyncset.done $0x0  }
0x1b7: {  	[sflag:s26] =	ssyncadd.s32 $0xFFFFFFB0  }
0x1b8: {  	_ =	swait.ge [sflag:s26], $0x50  }
0x1b9: {  	[sflag:s26] =	ssyncset.done $0x0  }
0x1ba: {  	[sflag:s26] =	ssyncadd.s32 $0xFFFFFFB0  }
0x1bb: {  	_ =	swait.ge [sflag:s26], $0x50  }
0x1bc: {  	[sflag:s26] =	ssyncset.done $0x0  }
0x1bd: {  	[sflag:s26] =	ssyncadd.s32 $0xFFFFFFB0  }
0x1be: {  	_ =	swait.ge [sflag:s26], $0x50  }
0x1bf: {  	[sflag:s26] =	ssyncset.done $0x0  }
0x1c0: {  	[sflag:s26] =	ssyncadd.s32 $0xFFFFFFB0  }
0x1c1: {  	_ =	swait.ge [sflag:s26], $0x50  }
0x1c2: {  	[sflag:s26] =	ssyncset.done $0x0  }
0x1c3: {  	[sflag:s26] =	ssyncadd.s32 $0xFFFFFFB0  }
0x1c4: {  	_ =	swait.ge [sflag:s26], $0x50  }
0x1c5: {  	[sflag:s26] =	ssyncset.done $0x0  }
0x1c6: {  	[sflag:s26] =	ssyncadd.s32 $0xFFFFFFB0  }
0x1c7: {  	_ =	swait.ge [sflag:s26], $0x50  }
0x1c8: {  	[sflag:s26] =	ssyncset.done $0x0  }
0x1c9: {  	[sflag:s26] =	ssyncadd.s32 $0xFFFFFFB0  }
0x1ca: {  	_ =	swait.ge [sflag:s26], $0x50  }
0x1cb: {  	[sflag:s26] =	ssyncset.done $0x0  }
0x1cc: {  	[sflag:s26] =	ssyncadd.s32 $0xFFFFFFB0  }
0x1cd: {  	_ =	swait.ge [sflag:s26], $0x50  }
0x1ce: {  	[sflag:s26] =	ssyncset.done $0x0  }
0x1cf: {  	[sflag:s26] =	ssyncadd.s32 $0xFFFFFFB0  }
0x1d0: {  	_ =	swait.ge [sflag:s26], $0x50  }
0x1d1: {  	[sflag:s26] =	ssyncset.done $0x0  }
0x1d2: {  	[sflag:s26] =	ssyncadd.s32 $0xFFFFFFB0  }
0x1d3: {  	_ =	swait.ge [sflag:s26], $0x50  }
0x1d4: {  	[sflag:s26] =	ssyncset.done $0x0  }
0x1d5: {  	[sflag:s26] =	ssyncadd.s32 $0xFFFFFFB0  }
0x1d6: {  	_ =	swait.ge [sflag:s26], $0x50  }
0x1d7: {  	[sflag:s26] =	ssyncset.done $0x0  }
0x1d8: {  	[sflag:s26] =	ssyncadd.s32 $0xFFFFFFB0  }
0x1d9: {  	_ =	swait.ge [sflag:s26], $0x50  }
0x1da: {  	[sflag:s26] =	ssyncset.done $0x0  }
0x1db: {  	[sflag:s26] =	ssyncadd.s32 $0xFFFFFFB0  }
0x1dc: {  	_ =	swait.ge [sflag:s26], $0x50  }
0x1dd: {  	[sflag:s26] =	ssyncset.done $0x0  }
0x1de: {  	[sflag:s26] =	ssyncadd.s32 $0xFFFFFFB0  }
0x1df: {  	_ =	swait.ge [sflag:s26], $0x50  }
0x1e0: {  	[sflag:s26] =	ssyncset.done $0x0  }
0x1e1: {  	[sflag:s26] =	ssyncadd.s32 $0xFFFFFFB0  }
0x1e2: {  	_ =	swait.ge [sflag:s26], $0x50  }
0x1e3: {  	[sflag:s26] =	ssyncset.done $0x0  }
0x1e4: {  	[sflag:s26] =	ssyncadd.s32 $0xFFFFFFB0  }
0x1e5: {  	_ =	swait.ge [sflag:s26], $0x50  }
.Ltmp3:
0x1e6: {  	[sflag:s26] =	ssyncset.done $0x0;
	(pc) =	sbr.rel .LBB2_4-.Ltmp3, $4  }
0x1e7: {  	[sflag:s26] =	ssyncadd.s32 $0xFFFFFFB0  }
0x1e8: {  	_ =	swait.ge [sflag:s26], $0x50  }
0x1e9: {  	[sflag:s26] =	ssyncset.done $0x0  }
0x1ea: {  	[sflag:s26] =	ssyncadd.s32 $0xFFFFFFB0  }
.LBB2_5:
0x1eb: {  	_ =	sfence.sel $0x180000  }
0x1ec: {  	[bflag:$0x0] =	sbarrier.arrive $0xFFFF  }
0x1ed: {  	_ =	strace $0x90000047  }
0x1ee: {  	s0 =	stileid.u32;
	[bflag:$0x2] =	sbarrier.arrive $0xFFFF  }
0x1ef: {  	p0 =	sne.s32 s0, $0x0;
	s0 =	rddreg [dreg:$0x5]  }
0x1f0: {  	s0 =	sadd.s32 @!p0 $0x100000, s0  }
0x1f1: {  	[sflag:s0] =	ssyncadd.tile.s32 @!p0 $0x1;
	_ =	shalt  }
.Lfunc_end2:
_tile_overlayer_lowered:
.L_overlay_start_2:
0x1f2: {  	(tag) =	ssettag $0x2  }
0x1f3: {  	s0 =	rddreg [dreg:$0x0];
	s2 =	stileid.u32  }
0x1f4: {  	s1 =	rddreg [dreg:$0x1];
	p0 =	sne.s32 s2, $0x0  }
0x1f5: {  	s3 =	rddreg [dreg:$0x2];
	[bflag:$0x3] =	sbarrier.arrive $0xFFFF;
	s2 =	simm.s32 @!p0 $0x1C02  }
0x1f6: {  	[timem:s3], [sflag:s2] =	dma.local @!p0 [hbm:s0], s1  }
0x1f7: {  	s0 =	simm.s32 @!p0 $0x2  }
0x1f8: {  	_ =	swait.ge @!p0 [sflag:s0], s1  }
0x1f9: {  	s1 =	ssub.s32 @!p0 $0x0, s1;
	[sflag:s0] =	ssyncset.done @!p0 $0x0  }
0x1fa: {  	[sflag:s0] =	ssyncadd.s32 @!p0 s1  }
0x1fb: {  	[bflag:$0x3] =	sbarrier.arrive $0xFFFF  }
0x1fc: {  	_ =	shalt  }

</sc_bundles>
